<compile_context>
chip_gen: v7x
topology: tpu7x:2x2x1
jax: 0.10.2.dev20260603
libtpu: 0.0.44.dev20260713+nightly
codegen_flags: <defaults>
</compile_context>

<pallas_src>
import functools

import jax
import jax.numpy as jnp
from jax import lax
from jax.experimental import pallas as pl
from jax.experimental.pallas import tpu as pltpu
from jax.experimental.pallas import tpu_sc as plsc

_B, _NQ, _N, _DIM = 2, 2048, 10000, 64
_K = 16
_NPAD = 10112
_QBLK_A = 128
_QC = 512
_TBL_D = 128
_ROWS = _B * _K * _NQ
_NW = 32
_CHUNK = 256
_BIG = 1e30


def _topk_body(xq_ref, xz_ref, out_ref):
    qb = xq_ref[0]
    xb = xz_ref[0]
    dot = lax.dot_general(qb * -2.0, xb, (((0,), (0,)), ((), ())),
                          preferred_element_type=jnp.float32)
    q2 = jnp.sum(qb * qb, axis=0)
    x2 = jnp.sum(xb * xb, axis=0)
    d = dot + q2[:, None] + x2[None, :]
    iota = lax.broadcasted_iota(jnp.int32, (_QBLK_A, _NPAD), 1)
    for k in range(_K):
        idx = jnp.argmin(d, axis=1).astype(jnp.int32)
        out_ref[0, k, :] = idx
        if k + 1 < _K:
            d = jnp.where(iota == idx[:, None], _BIG, d)


def _topk(xq_t, xz_t):
    return pl.pallas_call(
        _topk_body,
        grid=(_B, _NQ // _QBLK_A),
        in_specs=[
            pl.BlockSpec((1, 8, _QBLK_A), lambda b, q: (b, 0, q)),
            pl.BlockSpec((1, 8, _NPAD), lambda b, q: (b, 0, 0)),
        ],
        out_specs=pl.BlockSpec((1, _K, _QBLK_A), lambda b, q: (b, 0, q)),
        out_shape=jax.ShapeDtypeStruct((_B, _K, _NQ), jnp.int32),
    )(xq_t, xz_t)


def _sc_gather(table, idx):
    info = plsc.get_sparse_core_info()
    nc = info.num_cores
    mesh = plsc.VectorSubcoreMesh(core_axis_name="c", subcore_axis_name="s")
    b_per_w = _ROWS // _NW

    @functools.partial(
        pl.kernel,
        mesh=mesh,
        out_type=jax.ShapeDtypeStruct((_ROWS, _TBL_D), jnp.float32),
        scratch_types=[
            pltpu.VMEM((_CHUNK,), jnp.int32),
            pltpu.VMEM((_CHUNK,), jnp.int32),
            pltpu.VMEM((_CHUNK, _TBL_D), jnp.float32),
            pltpu.VMEM((_CHUNK, _TBL_D), jnp.float32),
            pltpu.SemaphoreType.DMA,
            pltpu.SemaphoreType.DMA,
        ],
    )
    def gather_k(table_hbm, idx_hbm, out_hbm, idx_v0, idx_v1,
                 rows_v0, rows_v1, gsem, osem):
        wid = lax.axis_index("s") * nc + lax.axis_index("c")
        nch = b_per_w // _CHUNK
        idx_b = (idx_v0, idx_v1)
        rows_b = (rows_v0, rows_v1)
        pltpu.sync_copy(idx_hbm.at[pl.ds(wid * b_per_w, _CHUNK)], idx_v0)
        g = pltpu.async_copy(table_hbm.at[idx_v0], rows_v0, gsem)
        for c in range(nch):
            s = c % 2
            if c + 1 < nch:
                base_n = wid * b_per_w + (c + 1) * _CHUNK
                pltpu.sync_copy(idx_hbm.at[pl.ds(base_n, _CHUNK)],
                                idx_b[1 - s])
                g_next = pltpu.async_copy(table_hbm.at[idx_b[1 - s]],
                                          rows_b[1 - s], gsem)
            g.wait()
            base = wid * b_per_w + c * _CHUNK
            o = pltpu.async_copy(rows_b[s],
                                 out_hbm.at[pl.ds(base, _CHUNK)], osem)
            if c + 1 < nch:
                g = g_next
            o.wait()

    return gather_k(table, idx)


def _attn_body(g_ref, xq_ref, cs_ref, sgf_ref, lat_ref,
               wks_ref, wvs_ref, w1g_ref, w1p8_ref, db1_ref, dw2_ref, db2_ref,
               gw1_ref, gb1_ref, gw2_ref, gb2_ref,
               wkc_ref, wvc_ref, wqs_ref, wkg_ref, wvg_ref, out_ref):
    f32 = jnp.float32
    dot = lambda a, b: lax.dot_general(a, b, (((1,), (0,)), ((), ())),
                                       preferred_element_type=f32)
    dotT = lambda a, b: lax.dot_general(a, b, (((0,), (0,)), ((), ())),
                                        preferred_element_type=f32)
    g4 = g_ref[0]
    qb = xq_ref[0]
    cb = cs_ref[0]
    sgf = sgf_ref[0]
    lat = lat_ref[pl.ds(pl.program_id(0), 1), :]

    G = jnp.concatenate([g4[j] for j in range(_K)], axis=0)
    KN = dot(G, wks_ref[...])
    VN = dot(G, wvs_ref[...])
    GW1 = dot(G, w1g_ref[...])

    qw1 = dotT(qb, w1p8_ref[...])
    dcw1 = dotT(qb - cb, w1p8_ref[...])

    db1 = db1_ref[...]
    db2 = db2_ref[...]
    qw1t = jnp.concatenate([qw1] * _K, axis=0)
    d_in = jnp.concatenate([qw1t - GW1, dcw1], axis=0)
    P = dot(jnp.maximum(d_in + db1, 0.0), dw2_ref[...]) + db2

    k_c = dot(sgf, wkc_ref[...])
    v_c = dot(sgf, wvc_ref[...])
    qa = dot(lat, wqs_ref[...])
    kg = dot(lat, wkg_ref[...])
    vg = dot(lat, wvg_ref[...])

    nK = _K * _QC
    H = jnp.concatenate([
        qa - KN + P[:nK],
        qa - k_c + P[nK:],
        jnp.broadcast_to(qa - kg, (_QC, 64)),
    ], axis=0)
    gb1 = gb1_ref[...]
    gb2 = gb2_ref[...]
    A = dot(jnp.maximum(dot(H, gw1_ref[...]) + gb1, 0.0), gw2_ref[...]) + gb2

    m = A[:_QC]
    for j in range(1, _K + 2):
        m = jnp.maximum(m, A[j * _QC:(j + 1) * _QC])
    VP = VN + P[:nK]
    s = jnp.zeros((_QC, 64), f32)
    num = jnp.zeros((_QC, 64), f32)
    for j in range(_K):
        e = jnp.exp(A[j * _QC:(j + 1) * _QC] - m)
        s = s + e
        num = num + e * VP[j * _QC:(j + 1) * _QC]
    e_c = jnp.exp(A[nK:nK + _QC] - m)
    s = s + e_c
    num = num + e_c * (v_c + P[nK:])
    e_g = jnp.exp(A[nK + _QC:] - m)
    s = s + e_g
    num = num + e_g * vg
    out_ref[0] = num / s


def _attn(gath, xq_t, cs_t, sgf, lat_rep, weights):
    full = lambda shape: pl.BlockSpec(shape, lambda b, q: tuple(0 for _ in shape))
    w_specs = [full(w.shape) for w in weights]
    return pl.pallas_call(
        _attn_body,
        grid=(_B, _NQ // _QC),
        in_specs=[
            pl.BlockSpec((1, _K, _QC, _TBL_D), lambda b, q: (b, 0, q, 0)),
            pl.BlockSpec((1, 8, _QC), lambda b, q: (b, 0, q)),
            pl.BlockSpec((1, 8, _QC), lambda b, q: (b, 0, q)),
            pl.BlockSpec((1, _QC, _DIM), lambda b, q: (b, q, 0)),
            pl.BlockSpec((_B, _DIM), lambda b, q: (0, 0)),
        ] + w_specs,
        out_specs=pl.BlockSpec((1, _QC, _DIM), lambda b, q: (b, q, 0)),
        out_shape=jax.ShapeDtypeStruct((_B, _NQ, _DIM), jnp.float32),
    )(gath, xq_t, cs_t, sgf, lat_rep, *weights)


def kernel(xyz_q, lat_rep, xyz, points, sampled_grid_feat, closest_seen,
           fc_delta_w1, fc_delta_b1, fc_delta_w2, fc_delta_b2,
           fc_gamma_w1, fc_gamma_b1, fc_gamma_w2, fc_gamma_b2,
           w_k_global, w_v_global, w_qs, w_ks, w_vs, w_kc, w_vc):
    f32 = jnp.float32
    xq_t = jnp.zeros((_B, 8, _NQ), f32).at[:, :3, :].set(
        xyz_q.transpose(0, 2, 1))
    xz_t = jnp.full((_B, 3, _NPAD), 100.0, f32).at[:, :, :_N].set(
        xyz.transpose(0, 2, 1))
    xz_t = jnp.concatenate([xz_t, jnp.zeros((_B, 5, _NPAD), f32)], axis=1)
    knn = _topk(xq_t, xz_t)

    flat_idx = (knn + (jnp.arange(_B, dtype=jnp.int32) * _N)[:, None, None]
                ).reshape(_ROWS)
    table = jnp.concatenate(
        [points, xyz, jnp.zeros((_B, _N, _TBL_D - _DIM - 3), f32)],
        axis=2).reshape(_B * _N, _TBL_D)
    gath = _sc_gather(table, flat_idx).reshape(_B, _K, _NQ, _TBL_D)

    cs_t = jnp.zeros((_B, 8, _NQ), f32).at[:, :3, :].set(
        closest_seen.reshape(_B, _NQ, 3).transpose(0, 2, 1))
    sgf = sampled_grid_feat.reshape(_B, _NQ, _DIM)
    wks128 = jnp.zeros((_TBL_D, _DIM), f32).at[:_DIM].set(w_ks)
    wvs128 = jnp.zeros((_TBL_D, _DIM), f32).at[:_DIM].set(w_vs)
    w1g = jnp.zeros((_TBL_D, _DIM), f32).at[_DIM:_DIM + 3].set(fc_delta_w1)
    w1p8 = jnp.zeros((8, _DIM), f32).at[:3].set(fc_delta_w1)
    weights = (wks128, wvs128, w1g, w1p8,
               fc_delta_b1.reshape(1, _DIM), fc_delta_w2,
               fc_delta_b2.reshape(1, _DIM),
               fc_gamma_w1, fc_gamma_b1.reshape(1, _DIM),
               fc_gamma_w2, fc_gamma_b2.reshape(1, _DIM),
               w_kc, w_vc, w_qs, w_k_global, w_v_global)
    return _attn(gath, xq_t, cs_t, sgf, lat_rep, weights)

# --- scband reference (transcript-rebuilt; emitter-appended) ---
"""Pipeline reference for scband-cross-transformer-block-31310311588316 (READ-ONLY COPY).

The authoritative reference and input builder live on the scoring server;
editing this copy changes nothing except your own understanding.
"""

import jax, jax.numpy as jnp
import numpy as np

B, NQ, N, DIM_INP, DIM, NNEIGH = 2, 2048, 10000, 64, 64, 16


def square_distance(src, dst):
    d = -2.0 * jnp.einsum('bnc,bmc->bnm', src, dst)
    d = d + jnp.sum(src ** 2, axis=-1)[:, :, None]
    d = d + jnp.sum(dst ** 2, axis=-1)[:, None, :]
    return d


def index_points(points, idx):
    # points: [B, N, C], idx: [B, S, K] -> [B, S, K, C]
    return jax.vmap(lambda p, i: p[i])(points, idx)


def setup_inputs(seed: int = 0) -> dict:
    key = jax.random.key(seed)
    ks = jax.random.split(key, 24)
    inp = {}
    inp['xyz_q'] = jax.random.uniform(ks[0], (B, NQ, 3), dtype=jnp.float32)
    inp['lat_rep'] = jax.random.normal(ks[1], (B, DIM_INP), dtype=jnp.float32)
    inp['xyz'] = jax.random.uniform(ks[2], (B, N, 3), dtype=jnp.float32)
    inp['points'] = jax.random.normal(ks[3], (B, N, DIM_INP), dtype=jnp.float32)
    inp['sampled_grid_feat'] = jax.random.normal(ks[4], (B, NQ, 1, DIM_INP), dtype=jnp.float32)
    inp['closest_seen'] = jax.random.uniform(ks[5], (B, NQ, 1, 3), dtype=jnp.float32)
    s_in = 1.0 / np.sqrt(DIM_INP)
    s_d = 1.0 / np.sqrt(DIM)
    s_3 = 1.0 / np.sqrt(3.0)
    inp['fc_delta_w1'] = jax.random.normal(ks[6], (3, DIM), dtype=jnp.float32) * s_3
    inp['fc_delta_b1'] = jnp.zeros((DIM,), dtype=jnp.float32)
    inp['fc_delta_w2'] = jax.random.normal(ks[7], (DIM, DIM), dtype=jnp.float32) * s_d
    inp['fc_delta_b2'] = jnp.zeros((DIM,), dtype=jnp.float32)
    inp['fc_gamma_w1'] = jax.random.normal(ks[8], (DIM, DIM), dtype=jnp.float32) * s_d
    inp['fc_gamma_b1'] = jnp.zeros((DIM,), dtype=jnp.float32)
    inp['fc_gamma_w2'] = jax.random.normal(ks[9], (DIM, DIM), dtype=jnp.float32) * s_d
    inp['fc_gamma_b2'] = jnp.zeros((DIM,), dtype=jnp.float32)
    inp['w_k_global'] = jax.random.normal(ks[10], (DIM_INP, DIM), dtype=jnp.float32) * s_in
    inp['w_v_global'] = jax.random.normal(ks[11], (DIM_INP, DIM), dtype=jnp.float32) * s_in
    inp['w_qs'] = jax.random.normal(ks[12], (DIM_INP, DIM), dtype=jnp.float32) * s_in
    inp['w_ks'] = jax.random.normal(ks[13], (DIM_INP, DIM), dtype=jnp.float32) * s_in
    inp['w_vs'] = jax.random.normal(ks[14], (DIM_INP, DIM), dtype=jnp.float32) * s_in
    inp['w_kc'] = jax.random.normal(ks[15], (DIM_INP, DIM), dtype=jnp.float32) * s_in
    inp['w_vc'] = jax.random.normal(ks[16], (DIM_INP, DIM), dtype=jnp.float32) * s_in
    return inp


def reference(xyz_q, lat_rep, xyz, points, sampled_grid_feat, closest_seen,
              fc_delta_w1, fc_delta_b1, fc_delta_w2, fc_delta_b2,
              fc_gamma_w1, fc_gamma_b1, fc_gamma_w2, fc_gamma_b2,
              w_k_global, w_v_global, w_qs, w_ks, w_vs, w_kc, w_vc):
    b, nQ = xyz_q.shape[0], xyz_q.shape[1]
    # kNN retrieval (torch.no_grad block)
    dists = square_distance(xyz_q, xyz)
    sort_idx = jnp.argsort(dists, axis=-1)
    knn_idx = sort_idx[:, :, :NNEIGH]
    # lat_rep is 2D -> broadcast over queries
    q_attn = jnp.broadcast_to((lat_rep @ w_qs)[:, None, :], (b, nQ, DIM))
    k_global = jnp.broadcast_to((lat_rep @ w_k_global)[:, None, :], (b, nQ, DIM))[:, :, None, :]
    v_global = jnp.broadcast_to((lat_rep @ w_v_global)[:, None, :], (b, nQ, DIM))[:, :, None, :]
    k_attn = index_points(points @ w_ks, knn_idx)
    k_closest = sampled_grid_feat @ w_kc
    k_attn = jnp.concatenate([k_attn, k_closest, k_global], axis=2)
    v_attn = index_points(points @ w_vs, knn_idx)
    v_closest = sampled_grid_feat @ w_vc
    v_attn = jnp.concatenate([v_attn, v_closest, v_global], axis=2)
    xyz_g = index_points(xyz, knn_idx)
    xyz_g = jnp.concatenate([xyz_g, closest_seen], axis=2)
    d = xyz_q[:, :, None, :] - xyz_g
    pos_encode = jax.nn.relu(d @ fc_delta_w1 + fc_delta_b1) @ fc_delta_w2 + fc_delta_b2
    pos_encode = jnp.concatenate([pos_encode, jnp.zeros((b, nQ, 1, DIM), dtype=pos_encode.dtype)], axis=2)
    h = q_attn[:, :, None, :] - k_attn + pos_encode
    attn = jax.nn.relu(h @ fc_gamma_w1 + fc_gamma_b1) @ fc_gamma_w2 + fc_gamma_b2
    attn = jax.nn.softmax(attn, axis=-2)
    res = jnp.einsum('bmnf,bmnf->bmf', attn, v_attn + pos_encode)
    return res

if __name__ == "__main__":
    import jax
    _d = setup_inputs()
    print(jax.jit(kernel)(*tuple(_d.values())))

</pallas_src>

<mosaic_0001>
#map = affine_map<(d0, d1) -> (0, 0)>
#map1 = affine_map<(d0, d1) -> (0)>
module attributes {stable_mosaic.version = 14 : i64} {
  func.func @gather_k(%arg0: i32, %arg1: i32, %arg2: memref<20000x128xf32, #tpu.memory_space<hbm>>, %arg3: memref<65536xi32, #tpu.memory_space<hbm>>, %arg4: memref<65536x128xf32, #tpu.memory_space<hbm>>, %arg5: memref<256xi32, #tpu.memory_space<vmem>>, %arg6: memref<256xi32, #tpu.memory_space<vmem>>, %arg7: memref<256x128xf32, #tpu.memory_space<vmem>>, %arg8: memref<256x128xf32, #tpu.memory_space<vmem>>, %arg9: memref<!tpu.dma_semaphore, #tpu.memory_space<semaphore_mem>>, %arg10: memref<!tpu.dma_semaphore, #tpu.memory_space<semaphore_mem>>) attributes {dimension_semantics = [#tpu.dimension_semantics<core_parallel>, #tpu.dimension_semantics<subcore_parallel>], iteration_bounds = array<i64: 2, 16>, scalar_prefetch = 0 : i64, scratch_operands = 6 : i64, tpu.core_type = #tpu.core_type<sc_vector_subcore>, window_params = [{transform_indices = #map}, {transform_indices = #map1}, {transform_indices = #map}]} {
    %mul3A = arith.constant 2 : i32
    %mul3A_0 = arith.muli %arg1, %mul3A : i32
    %add3A = arith.addi %mul3A_0, %arg0 : i32
    %mul3A_1 = arith.constant 2048 : i32
    %mul3A_2 = arith.muli %add3A, %mul3A_1 : i32
    "tpu.region"() ({
      %run_scoped3A = tpu.sem_alloc : memref<!tpu.dma_semaphore, #tpu.memory_space<semaphore_mem>>
      %dma_start3A_173 = tpu.memref_slice %arg3[%mul3A_2] : memref<65536xi32, #tpu.memory_space<hbm>> -> memref<256xi32, #tpu.memory_space<hbm>>
      %dma_start3A_174 = tpu.memref_slice %arg3[%mul3A_2] : memref<65536xi32, #tpu.memory_space<hbm>> -> memref<256xi32, #tpu.memory_space<hbm>>
      tpu.enqueue_dma source(%dma_start3A_174 : memref<256xi32, #tpu.memory_space<hbm>>) target(%arg5 : memref<256xi32, #tpu.memory_space<vmem>>) target_semaphore(%run_scoped3A : memref<!tpu.dma_semaphore, #tpu.memory_space<semaphore_mem>>)
      %dma_wait3A_175 = tpu.memref_slice %arg3[%mul3A_2] : memref<65536xi32, #tpu.memory_space<hbm>> -> memref<256xi32, #tpu.memory_space<hbm>>
      %dma_wait3A_176 = tpu.memref_slice %arg3[%mul3A_2] : memref<65536xi32, #tpu.memory_space<hbm>> -> memref<256xi32, #tpu.memory_space<hbm>>
      tpu.wait_dma2 semaphore(%run_scoped3A : memref<!tpu.dma_semaphore, #tpu.memory_space<semaphore_mem>>) src(%dma_wait3A_176 : memref<256xi32, #tpu.memory_space<hbm>>) dst(%arg5 : memref<256xi32, #tpu.memory_space<vmem>>)
      tpu.yield
    }) : () -> ()
    %dma_start3A = arith.constant 0 : i32
    %dma_start3A_3 = arith.constant 0 : i32
    %dma_start3A_4 = tpu.memref_slice %arg2[%dma_start3A, %dma_start3A_3] : memref<20000x128xf32, #tpu.memory_space<hbm>> -> memref<20000x128xf32, #tpu.memory_space<hbm>>
    tpu.enqueue_indirect_dma source(%dma_start3A_4 : memref<20000x128xf32, #tpu.memory_space<hbm>>) target(%arg7 : memref<256x128xf32, #tpu.memory_space<vmem>>) offsets(%arg5 : memref<256xi32, #tpu.memory_space<vmem>>) semaphore(%arg9 : memref<!tpu.dma_semaphore, #tpu.memory_space<semaphore_mem>>)
    %mul3A_5 = arith.constant 2048 : i32
    %mul3A_6 = arith.muli %add3A, %mul3A_5 : i32
    %add3A_7 = arith.constant 256 : i32
    %add3A_8 = arith.addi %mul3A_6, %add3A_7 : i32
    "tpu.region"() ({
      %run_scoped3A = tpu.sem_alloc : memref<!tpu.dma_semaphore, #tpu.memory_space<semaphore_mem>>
      %dma_start3A_173 = tpu.memref_slice %arg3[%add3A_8] : memref<65536xi32, #tpu.memory_space<hbm>> -> memref<256xi32, #tpu.memory_space<hbm>>
      %dma_start3A_174 = tpu.memref_slice %arg3[%add3A_8] : memref<65536xi32, #tpu.memory_space<hbm>> -> memref<256xi32, #tpu.memory_space<hbm>>
      tpu.enqueue_dma source(%dma_start3A_174 : memref<256xi32, #tpu.memory_space<hbm>>) target(%arg6 : memref<256xi32, #tpu.memory_space<vmem>>) target_semaphore(%run_scoped3A : memref<!tpu.dma_semaphore, #tpu.memory_space<semaphore_mem>>)
      %dma_wait3A_175 = tpu.memref_slice %arg3[%add3A_8] : memref<65536xi32, #tpu.memory_space<hbm>> -> memref<256xi32, #tpu.memory_space<hbm>>
      %dma_wait3A_176 = tpu.memref_slice %arg3[%add3A_8] : memref<65536xi32, #tpu.memory_space<hbm>> -> memref<256xi32, #tpu.memory_space<hbm>>
      tpu.wait_dma2 semaphore(%run_scoped3A : memref<!tpu.dma_semaphore, #tpu.memory_space<semaphore_mem>>) src(%dma_wait3A_176 : memref<256xi32, #tpu.memory_space<hbm>>) dst(%arg6 : memref<256xi32, #tpu.memory_space<vmem>>)
      tpu.yield
    }) : () -> ()
    %dma_start3A_9 = arith.constant 0 : i32
    %dma_start3A_10 = arith.constant 0 : i32
    %dma_start3A_11 = tpu.memref_slice %arg2[%dma_start3A_9, %dma_start3A_10] : memref<20000x128xf32, #tpu.memory_space<hbm>> -> memref<20000x128xf32, #tpu.memory_space<hbm>>
    tpu.enqueue_indirect_dma source(%dma_start3A_11 : memref<20000x128xf32, #tpu.memory_space<hbm>>) target(%arg8 : memref<256x128xf32, #tpu.memory_space<vmem>>) offsets(%arg6 : memref<256xi32, #tpu.memory_space<vmem>>) semaphore(%arg9 : memref<!tpu.dma_semaphore, #tpu.memory_space<semaphore_mem>>)
    %dma_wait3A = arith.constant 0 : i32
    %dma_wait3A_12 = arith.constant 0 : i32
    %dma_wait3A_13 = tpu.memref_slice %arg2[%dma_wait3A, %dma_wait3A_12] : memref<20000x128xf32, #tpu.memory_space<hbm>> -> memref<20000x128xf32, #tpu.memory_space<hbm>>
    tpu.wait_indirect_dma semaphore(%arg9 : memref<!tpu.dma_semaphore, #tpu.memory_space<semaphore_mem>>) src(%dma_wait3A_13 : memref<20000x128xf32, #tpu.memory_space<hbm>>) dst(%arg7 : memref<256x128xf32, #tpu.memory_space<vmem>>)
    %mul3A_14 = arith.constant 2048 : i32
    %mul3A_15 = arith.muli %add3A, %mul3A_14 : i32
    %add3A_16 = arith.constant 0 : i32
    %add3A_17 = arith.addi %mul3A_15, %add3A_16 : i32
    %dma_start3A_18 = arith.constant 0 : i32
    %dma_start3A_19 = tpu.memref_slice %arg4[%add3A_17, %dma_start3A_18] : memref<65536x128xf32, #tpu.memory_space<hbm>> -> memref<256x128xf32, #tpu.memory_space<hbm>>
    %dma_start3A_20 = arith.constant 0 : i32
    %dma_start3A_21 = tpu.memref_slice %arg4[%add3A_17, %dma_start3A_20] : memref<65536x128xf32, #tpu.memory_space<hbm>> -> memref<256x128xf32, #tpu.memory_space<hbm>>
    tpu.enqueue_dma source(%arg7 : memref<256x128xf32, #tpu.memory_space<vmem>>) target(%dma_start3A_21 : memref<256x128xf32, #tpu.memory_space<hbm>>) target_semaphore(%arg10 : memref<!tpu.dma_semaphore, #tpu.memory_space<semaphore_mem>>)
    %dma_wait3A_22 = arith.constant 0 : i32
    %dma_wait3A_23 = tpu.memref_slice %arg4[%add3A_17, %dma_wait3A_22] : memref<65536x128xf32, #tpu.memory_space<hbm>> -> memref<256x128xf32, #tpu.memory_space<hbm>>
    %dma_wait3A_24 = arith.constant 0 : i32
    %dma_wait3A_25 = tpu.memref_slice %arg4[%add3A_17, %dma_wait3A_24] : memref<65536x128xf32, #tpu.memory_space<hbm>> -> memref<256x128xf32, #tpu.memory_space<hbm>>
    tpu.wait_dma2 semaphore(%arg10 : memref<!tpu.dma_semaphore, #tpu.memory_space<semaphore_mem>>) src(%arg7 : memref<256x128xf32, #tpu.memory_space<vmem>>) dst(%dma_wait3A_25 : memref<256x128xf32, #tpu.memory_space<hbm>>)
    %mul3A_26 = arith.constant 2048 : i32
    %mul3A_27 = arith.muli %add3A, %mul3A_26 : i32
    %add3A_28 = arith.constant 512 : i32
    %add3A_29 = arith.addi %mul3A_27, %add3A_28 : i32
    "tpu.region"() ({
      %run_scoped3A = tpu.sem_alloc : memref<!tpu.dma_semaphore, #tpu.memory_space<semaphore_mem>>
      %dma_start3A_173 = tpu.memref_slice %arg3[%add3A_29] : memref<65536xi32, #tpu.memory_space<hbm>> -> memref<256xi32, #tpu.memory_space<hbm>>
      %dma_start3A_174 = tpu.memref_slice %arg3[%add3A_29] : memref<65536xi32, #tpu.memory_space<hbm>> -> memref<256xi32, #tpu.memory_space<hbm>>
      tpu.enqueue_dma source(%dma_start3A_174 : memref<256xi32, #tpu.memory_space<hbm>>) target(%arg5 : memref<256xi32, #tpu.memory_space<vmem>>) target_semaphore(%run_scoped3A : memref<!tpu.dma_semaphore, #tpu.memory_space<semaphore_mem>>)
      %dma_wait3A_175 = tpu.memref_slice %arg3[%add3A_29] : memref<65536xi32, #tpu.memory_space<hbm>> -> memref<256xi32, #tpu.memory_space<hbm>>
      %dma_wait3A_176 = tpu.memref_slice %arg3[%add3A_29] : memref<65536xi32, #tpu.memory_space<hbm>> -> memref<256xi32, #tpu.memory_space<hbm>>
      tpu.wait_dma2 semaphore(%run_scoped3A : memref<!tpu.dma_semaphore, #tpu.memory_space<semaphore_mem>>) src(%dma_wait3A_176 : memref<256xi32, #tpu.memory_space<hbm>>) dst(%arg5 : memref<256xi32, #tpu.memory_space<vmem>>)
      tpu.yield
    }) : () -> ()
    %dma_start3A_30 = arith.constant 0 : i32
    %dma_start3A_31 = arith.constant 0 : i32
    %dma_start3A_32 = tpu.memref_slice %arg2[%dma_start3A_30, %dma_start3A_31] : memref<20000x128xf32, #tpu.memory_space<hbm>> -> memref<20000x128xf32, #tpu.memory_space<hbm>>
    tpu.enqueue_indirect_dma source(%dma_start3A_32 : memref<20000x128xf32, #tpu.memory_space<hbm>>) target(%arg7 : memref<256x128xf32, #tpu.memory_space<vmem>>) offsets(%arg5 : memref<256xi32, #tpu.memory_space<vmem>>) semaphore(%arg9 : memref<!tpu.dma_semaphore, #tpu.memory_space<semaphore_mem>>)
    %dma_wait3A_33 = arith.constant 0 : i32
    %dma_wait3A_34 = arith.constant 0 : i32
    %dma_wait3A_35 = tpu.memref_slice %arg2[%dma_wait3A_33, %dma_wait3A_34] : memref<20000x128xf32, #tpu.memory_space<hbm>> -> memref<20000x128xf32, #tpu.memory_space<hbm>>
    tpu.wait_indirect_dma semaphore(%arg9 : memref<!tpu.dma_semaphore, #tpu.memory_space<semaphore_mem>>) src(%dma_wait3A_35 : memref<20000x128xf32, #tpu.memory_space<hbm>>) dst(%arg8 : memref<256x128xf32, #tpu.memory_space<vmem>>)
    %mul3A_36 = arith.constant 2048 : i32
    %mul3A_37 = arith.muli %add3A, %mul3A_36 : i32
    %add3A_38 = arith.constant 256 : i32
    %add3A_39 = arith.addi %mul3A_37, %add3A_38 : i32
    %dma_start3A_40 = arith.constant 0 : i32
    %dma_start3A_41 = tpu.memref_slice %arg4[%add3A_39, %dma_start3A_40] : memref<65536x128xf32, #tpu.memory_space<hbm>> -> memref<256x128xf32, #tpu.memory_space<hbm>>
    %dma_start3A_42 = arith.constant 0 : i32
    %dma_start3A_43 = tpu.memref_slice %arg4[%add3A_39, %dma_start3A_42] : memref<65536x128xf32, #tpu.memory_space<hbm>> -> memref<256x128xf32, #tpu.memory_space<hbm>>
    tpu.enqueue_dma source(%arg8 : memref<256x128xf32, #tpu.memory_space<vmem>>) target(%dma_start3A_43 : memref<256x128xf32, #tpu.memory_space<hbm>>) target_semaphore(%arg10 : memref<!tpu.dma_semaphore, #tpu.memory_space<semaphore_mem>>)
    %dma_wait3A_44 = arith.constant 0 : i32
    %dma_wait3A_45 = tpu.memref_slice %arg4[%add3A_39, %dma_wait3A_44] : memref<65536x128xf32, #tpu.memory_space<hbm>> -> memref<256x128xf32, #tpu.memory_space<hbm>>
    %dma_wait3A_46 = arith.constant 0 : i32
    %dma_wait3A_47 = tpu.memref_slice %arg4[%add3A_39, %dma_wait3A_46] : memref<65536x128xf32, #tpu.memory_space<hbm>> -> memref<256x128xf32, #tpu.memory_space<hbm>>
    tpu.wait_dma2 semaphore(%arg10 : memref<!tpu.dma_semaphore, #tpu.memory_space<semaphore_mem>>) src(%arg8 : memref<256x128xf32, #tpu.memory_space<vmem>>) dst(%dma_wait3A_47 : memref<256x128xf32, #tpu.memory_space<hbm>>)
    %mul3A_48 = arith.constant 2048 : i32
    %mul3A_49 = arith.muli %add3A, %mul3A_48 : i32
    %add3A_50 = arith.constant 768 : i32
    %add3A_51 = arith.addi %mul3A_49, %add3A_50 : i32
    "tpu.region"() ({
      %run_scoped3A = tpu.sem_alloc : memref<!tpu.dma_semaphore, #tpu.memory_space<semaphore_mem>>
      %dma_start3A_173 = tpu.memref_slice %arg3[%add3A_51] : memref<65536xi32, #tpu.memory_space<hbm>> -> memref<256xi32, #tpu.memory_space<hbm>>
      %dma_start3A_174 = tpu.memref_slice %arg3[%add3A_51] : memref<65536xi32, #tpu.memory_space<hbm>> -> memref<256xi32, #tpu.memory_space<hbm>>
      tpu.enqueue_dma source(%dma_start3A_174 : memref<256xi32, #tpu.memory_space<hbm>>) target(%arg6 : memref<256xi32, #tpu.memory_space<vmem>>) target_semaphore(%run_scoped3A : memref<!tpu.dma_semaphore, #tpu.memory_space<semaphore_mem>>)
      %dma_wait3A_175 = tpu.memref_slice %arg3[%add3A_51] : memref<65536xi32, #tpu.memory_space<hbm>> -> memref<256xi32, #tpu.memory_space<hbm>>
      %dma_wait3A_176 = tpu.memref_slice %arg3[%add3A_51] : memref<65536xi32, #tpu.memory_space<hbm>> -> memref<256xi32, #tpu.memory_space<hbm>>
      tpu.wait_dma2 semaphore(%run_scoped3A : memref<!tpu.dma_semaphore, #tpu.memory_space<semaphore_mem>>) src(%dma_wait3A_176 : memref<256xi32, #tpu.memory_space<hbm>>) dst(%arg6 : memref<256xi32, #tpu.memory_space<vmem>>)
      tpu.yield
    }) : () -> ()
    %dma_start3A_52 = arith.constant 0 : i32
    %dma_start3A_53 = arith.constant 0 : i32
    %dma_start3A_54 = tpu.memref_slice %arg2[%dma_start3A_52, %dma_start3A_53] : memref<20000x128xf32, #tpu.memory_space<hbm>> -> memref<20000x128xf32, #tpu.memory_space<hbm>>
    tpu.enqueue_indirect_dma source(%dma_start3A_54 : memref<20000x128xf32, #tpu.memory_space<hbm>>) target(%arg8 : memref<256x128xf32, #tpu.memory_space<vmem>>) offsets(%arg6 : memref<256xi32, #tpu.memory_space<vmem>>) semaphore(%arg9 : memref<!tpu.dma_semaphore, #tpu.memory_space<semaphore_mem>>)
    %dma_wait3A_55 = arith.constant 0 : i32
    %dma_wait3A_56 = arith.constant 0 : i32
    %dma_wait3A_57 = tpu.memref_slice %arg2[%dma_wait3A_55, %dma_wait3A_56] : memref<20000x128xf32, #tpu.memory_space<hbm>> -> memref<20000x128xf32, #tpu.memory_space<hbm>>
    tpu.wait_indirect_dma semaphore(%arg9 : memref<!tpu.dma_semaphore, #tpu.memory_space<semaphore_mem>>) src(%dma_wait3A_57 : memref<20000x128xf32, #tpu.memory_space<hbm>>) dst(%arg7 : memref<256x128xf32, #tpu.memory_space<vmem>>)
    %mul3A_58 = arith.constant 2048 : i32
    %mul3A_59 = arith.muli %add3A, %mul3A_58 : i32
    %add3A_60 = arith.constant 512 : i32
    %add3A_61 = arith.addi %mul3A_59, %add3A_60 : i32
    %dma_start3A_62 = arith.constant 0 : i32
    %dma_start3A_63 = tpu.memref_slice %arg4[%add3A_61, %dma_start3A_62] : memref<65536x128xf32, #tpu.memory_space<hbm>> -> memref<256x128xf32, #tpu.memory_space<hbm>>
    %dma_start3A_64 = arith.constant 0 : i32
    %dma_start3A_65 = tpu.memref_slice %arg4[%add3A_61, %dma_start3A_64] : memref<65536x128xf32, #tpu.memory_space<hbm>> -> memref<256x128xf32, #tpu.memory_space<hbm>>
    tpu.enqueue_dma source(%arg7 : memref<256x128xf32, #tpu.memory_space<vmem>>) target(%dma_start3A_65 : memref<256x128xf32, #tpu.memory_space<hbm>>) target_semaphore(%arg10 : memref<!tpu.dma_semaphore, #tpu.memory_space<semaphore_mem>>)
    %dma_wait3A_66 = arith.constant 0 : i32
    %dma_wait3A_67 = tpu.memref_slice %arg4[%add3A_61, %dma_wait3A_66] : memref<65536x128xf32, #tpu.memory_space<hbm>> -> memref<256x128xf32, #tpu.memory_space<hbm>>
    %dma_wait3A_68 = arith.constant 0 : i32
    %dma_wait3A_69 = tpu.memref_slice %arg4[%add3A_61, %dma_wait3A_68] : memref<65536x128xf32, #tpu.memory_space<hbm>> -> memref<256x128xf32, #tpu.memory_space<hbm>>
    tpu.wait_dma2 semaphore(%arg10 : memref<!tpu.dma_semaphore, #tpu.memory_space<semaphore_mem>>) src(%arg7 : memref<256x128xf32, #tpu.memory_space<vmem>>) dst(%dma_wait3A_69 : memref<256x128xf32, #tpu.memory_space<hbm>>)
    %mul3A_70 = arith.constant 2048 : i32
    %mul3A_71 = arith.muli %add3A, %mul3A_70 : i32
    %add3A_72 = arith.constant 1024 : i32
    %add3A_73 = arith.addi %mul3A_71, %add3A_72 : i32
    "tpu.region"() ({
      %run_scoped3A = tpu.sem_alloc : memref<!tpu.dma_semaphore, #tpu.memory_space<semaphore_mem>>
      %dma_start3A_173 = tpu.memref_slice %arg3[%add3A_73] : memref<65536xi32, #tpu.memory_space<hbm>> -> memref<256xi32, #tpu.memory_space<hbm>>
      %dma_start3A_174 = tpu.memref_slice %arg3[%add3A_73] : memref<65536xi32, #tpu.memory_space<hbm>> -> memref<256xi32, #tpu.memory_space<hbm>>
      tpu.enqueue_dma source(%dma_start3A_174 : memref<256xi32, #tpu.memory_space<hbm>>) target(%arg5 : memref<256xi32, #tpu.memory_space<vmem>>) target_semaphore(%run_scoped3A : memref<!tpu.dma_semaphore, #tpu.memory_space<semaphore_mem>>)
      %dma_wait3A_175 = tpu.memref_slice %arg3[%add3A_73] : memref<65536xi32, #tpu.memory_space<hbm>> -> memref<256xi32, #tpu.memory_space<hbm>>
      %dma_wait3A_176 = tpu.memref_slice %arg3[%add3A_73] : memref<65536xi32, #tpu.memory_space<hbm>> -> memref<256xi32, #tpu.memory_space<hbm>>
      tpu.wait_dma2 semaphore(%run_scoped3A : memref<!tpu.dma_semaphore, #tpu.memory_space<semaphore_mem>>) src(%dma_wait3A_176 : memref<256xi32, #tpu.memory_space<hbm>>) dst(%arg5 : memref<256xi32, #tpu.memory_space<vmem>>)
      tpu.yield
    }) : () -> ()
    %dma_start3A_74 = arith.constant 0 : i32
    %dma_start3A_75 = arith.constant 0 : i32
    %dma_start3A_76 = tpu.memref_slice %arg2[%dma_start3A_74, %dma_start3A_75] : memref<20000x128xf32, #tpu.memory_space<hbm>> -> memref<20000x128xf32, #tpu.memory_space<hbm>>
    tpu.enqueue_indirect_dma source(%dma_start3A_76 : memref<20000x128xf32, #tpu.memory_space<hbm>>) target(%arg7 : memref<256x128xf32, #tpu.memory_space<vmem>>) offsets(%arg5 : memref<256xi32, #tpu.memory_space<vmem>>) semaphore(%arg9 : memref<!tpu.dma_semaphore, #tpu.memory_space<semaphore_mem>>)
    %dma_wait3A_77 = arith.constant 0 : i32
    %dma_wait3A_78 = arith.constant 0 : i32
    %dma_wait3A_79 = tpu.memref_slice %arg2[%dma_wait3A_77, %dma_wait3A_78] : memref<20000x128xf32, #tpu.memory_space<hbm>> -> memref<20000x128xf32, #tpu.memory_space<hbm>>
    tpu.wait_indirect_dma semaphore(%arg9 : memref<!tpu.dma_semaphore, #tpu.memory_space<semaphore_mem>>) src(%dma_wait3A_79 : memref<20000x128xf32, #tpu.memory_space<hbm>>) dst(%arg8 : memref<256x128xf32, #tpu.memory_space<vmem>>)
    %mul3A_80 = arith.constant 2048 : i32
    %mul3A_81 = arith.muli %add3A, %mul3A_80 : i32
    %add3A_82 = arith.constant 768 : i32
    %add3A_83 = arith.addi %mul3A_81, %add3A_82 : i32
    %dma_start3A_84 = arith.constant 0 : i32
    %dma_start3A_85 = tpu.memref_slice %arg4[%add3A_83, %dma_start3A_84] : memref<65536x128xf32, #tpu.memory_space<hbm>> -> memref<256x128xf32, #tpu.memory_space<hbm>>
    %dma_start3A_86 = arith.constant 0 : i32
    %dma_start3A_87 = tpu.memref_slice %arg4[%add3A_83, %dma_start3A_86] : memref<65536x128xf32, #tpu.memory_space<hbm>> -> memref<256x128xf32, #tpu.memory_space<hbm>>
    tpu.enqueue_dma source(%arg8 : memref<256x128xf32, #tpu.memory_space<vmem>>) target(%dma_start3A_87 : memref<256x128xf32, #tpu.memory_space<hbm>>) target_semaphore(%arg10 : memref<!tpu.dma_semaphore, #tpu.memory_space<semaphore_mem>>)
    %dma_wait3A_88 = arith.constant 0 : i32
    %dma_wait3A_89 = tpu.memref_slice %arg4[%add3A_83, %dma_wait3A_88] : memref<65536x128xf32, #tpu.memory_space<hbm>> -> memref<256x128xf32, #tpu.memory_space<hbm>>
    %dma_wait3A_90 = arith.constant 0 : i32
    %dma_wait3A_91 = tpu.memref_slice %arg4[%add3A_83, %dma_wait3A_90] : memref<65536x128xf32, #tpu.memory_space<hbm>> -> memref<256x128xf32, #tpu.memory_space<hbm>>
    tpu.wait_dma2 semaphore(%arg10 : memref<!tpu.dma_semaphore, #tpu.memory_space<semaphore_mem>>) src(%arg8 : memref<256x128xf32, #tpu.memory_space<vmem>>) dst(%dma_wait3A_91 : memref<256x128xf32, #tpu.memory_space<hbm>>)
    %mul3A_92 = arith.constant 2048 : i32
    %mul3A_93 = arith.muli %add3A, %mul3A_92 : i32
    %add3A_94 = arith.constant 1280 : i32
    %add3A_95 = arith.addi %mul3A_93, %add3A_94 : i32
    "tpu.region"() ({
      %run_scoped3A = tpu.sem_alloc : memref<!tpu.dma_semaphore, #tpu.memory_space<semaphore_mem>>
      %dma_start3A_173 = tpu.memref_slice %arg3[%add3A_95] : memref<65536xi32, #tpu.memory_space<hbm>> -> memref<256xi32, #tpu.memory_space<hbm>>
      %dma_start3A_174 = tpu.memref_slice %arg3[%add3A_95] : memref<65536xi32, #tpu.memory_space<hbm>> -> memref<256xi32, #tpu.memory_space<hbm>>
      tpu.enqueue_dma source(%dma_start3A_174 : memref<256xi32, #tpu.memory_space<hbm>>) target(%arg6 : memref<256xi32, #tpu.memory_space<vmem>>) target_semaphore(%run_scoped3A : memref<!tpu.dma_semaphore, #tpu.memory_space<semaphore_mem>>)
      %dma_wait3A_175 = tpu.memref_slice %arg3[%add3A_95] : memref<65536xi32, #tpu.memory_space<hbm>> -> memref<256xi32, #tpu.memory_space<hbm>>
      %dma_wait3A_176 = tpu.memref_slice %arg3[%add3A_95] : memref<65536xi32, #tpu.memory_space<hbm>> -> memref<256xi32, #tpu.memory_space<hbm>>
      tpu.wait_dma2 semaphore(%run_scoped3A : memref<!tpu.dma_semaphore, #tpu.memory_space<semaphore_mem>>) src(%dma_wait3A_176 : memref<256xi32, #tpu.memory_space<hbm>>) dst(%arg6 : memref<256xi32, #tpu.memory_space<vmem>>)
      tpu.yield
    }) : () -> ()
    %dma_start3A_96 = arith.constant 0 : i32
    %dma_start3A_97 = arith.constant 0 : i32
    %dma_start3A_98 = tpu.memref_slice %arg2[%dma_start3A_96, %dma_start3A_97] : memref<20000x128xf32, #tpu.memory_space<hbm>> -> memref<20000x128xf32, #tpu.memory_space<hbm>>
    tpu.enqueue_indirect_dma source(%dma_start3A_98 : memref<20000x128xf32, #tpu.memory_space<hbm>>) target(%arg8 : memref<256x128xf32, #tpu.memory_space<vmem>>) offsets(%arg6 : memref<256xi32, #tpu.memory_space<vmem>>) semaphore(%arg9 : memref<!tpu.dma_semaphore, #tpu.memory_space<semaphore_mem>>)
    %dma_wait3A_99 = arith.constant 0 : i32
    %dma_wait3A_100 = arith.constant 0 : i32
    %dma_wait3A_101 = tpu.memref_slice %arg2[%dma_wait3A_99, %dma_wait3A_100] : memref<20000x128xf32, #tpu.memory_space<hbm>> -> memref<20000x128xf32, #tpu.memory_space<hbm>>
    tpu.wait_indirect_dma semaphore(%arg9 : memref<!tpu.dma_semaphore, #tpu.memory_space<semaphore_mem>>) src(%dma_wait3A_101 : memref<20000x128xf32, #tpu.memory_space<hbm>>) dst(%arg7 : memref<256x128xf32, #tpu.memory_space<vmem>>)
    %mul3A_102 = arith.constant 2048 : i32
    %mul3A_103 = arith.muli %add3A, %mul3A_102 : i32
    %add3A_104 = arith.constant 1024 : i32
    %add3A_105 = arith.addi %mul3A_103, %add3A_104 : i32
    %dma_start3A_106 = arith.constant 0 : i32
    %dma_start3A_107 = tpu.memref_slice %arg4[%add3A_105, %dma_start3A_106] : memref<65536x128xf32, #tpu.memory_space<hbm>> -> memref<256x128xf32, #tpu.memory_space<hbm>>
    %dma_start3A_108 = arith.constant 0 : i32
    %dma_start3A_109 = tpu.memref_slice %arg4[%add3A_105, %dma_start3A_108] : memref<65536x128xf32, #tpu.memory_space<hbm>> -> memref<256x128xf32, #tpu.memory_space<hbm>>
    tpu.enqueue_dma source(%arg7 : memref<256x128xf32, #tpu.memory_space<vmem>>) target(%dma_start3A_109 : memref<256x128xf32, #tpu.memory_space<hbm>>) target_semaphore(%arg10 : memref<!tpu.dma_semaphore, #tpu.memory_space<semaphore_mem>>)
    %dma_wait3A_110 = arith.constant 0 : i32
    %dma_wait3A_111 = tpu.memref_slice %arg4[%add3A_105, %dma_wait3A_110] : memref<65536x128xf32, #tpu.memory_space<hbm>> -> memref<256x128xf32, #tpu.memory_space<hbm>>
    %dma_wait3A_112 = arith.constant 0 : i32
    %dma_wait3A_113 = tpu.memref_slice %arg4[%add3A_105, %dma_wait3A_112] : memref<65536x128xf32, #tpu.memory_space<hbm>> -> memref<256x128xf32, #tpu.memory_space<hbm>>
    tpu.wait_dma2 semaphore(%arg10 : memref<!tpu.dma_semaphore, #tpu.memory_space<semaphore_mem>>) src(%arg7 : memref<256x128xf32, #tpu.memory_space<vmem>>) dst(%dma_wait3A_113 : memref<256x128xf32, #tpu.memory_space<hbm>>)
    %mul3A_114 = arith.constant 2048 : i32
    %mul3A_115 = arith.muli %add3A, %mul3A_114 : i32
    %add3A_116 = arith.constant 1536 : i32
    %add3A_117 = arith.addi %mul3A_115, %add3A_116 : i32
    "tpu.region"() ({
      %run_scoped3A = tpu.sem_alloc : memref<!tpu.dma_semaphore, #tpu.memory_space<semaphore_mem>>
      %dma_start3A_173 = tpu.memref_slice %arg3[%add3A_117] : memref<65536xi32, #tpu.memory_space<hbm>> -> memref<256xi32, #tpu.memory_space<hbm>>
      %dma_start3A_174 = tpu.memref_slice %arg3[%add3A_117] : memref<65536xi32, #tpu.memory_space<hbm>> -> memref<256xi32, #tpu.memory_space<hbm>>
      tpu.enqueue_dma source(%dma_start3A_174 : memref<256xi32, #tpu.memory_space<hbm>>) target(%arg5 : memref<256xi32, #tpu.memory_space<vmem>>) target_semaphore(%run_scoped3A : memref<!tpu.dma_semaphore, #tpu.memory_space<semaphore_mem>>)
      %dma_wait3A_175 = tpu.memref_slice %arg3[%add3A_117] : memref<65536xi32, #tpu.memory_space<hbm>> -> memref<256xi32, #tpu.memory_space<hbm>>
      %dma_wait3A_176 = tpu.memref_slice %arg3[%add3A_117] : memref<65536xi32, #tpu.memory_space<hbm>> -> memref<256xi32, #tpu.memory_space<hbm>>
      tpu.wait_dma2 semaphore(%run_scoped3A : memref<!tpu.dma_semaphore, #tpu.memory_space<semaphore_mem>>) src(%dma_wait3A_176 : memref<256xi32, #tpu.memory_space<hbm>>) dst(%arg5 : memref<256xi32, #tpu.memory_space<vmem>>)
      tpu.yield
    }) : () -> ()
    %dma_start3A_118 = arith.constant 0 : i32
    %dma_start3A_119 = arith.constant 0 : i32
    %dma_start3A_120 = tpu.memref_slice %arg2[%dma_start3A_118, %dma_start3A_119] : memref<20000x128xf32, #tpu.memory_space<hbm>> -> memref<20000x128xf32, #tpu.memory_space<hbm>>
    tpu.enqueue_indirect_dma source(%dma_start3A_120 : memref<20000x128xf32, #tpu.memory_space<hbm>>) target(%arg7 : memref<256x128xf32, #tpu.memory_space<vmem>>) offsets(%arg5 : memref<256xi32, #tpu.memory_space<vmem>>) semaphore(%arg9 : memref<!tpu.dma_semaphore, #tpu.memory_space<semaphore_mem>>)
    %dma_wait3A_121 = arith.constant 0 : i32
    %dma_wait3A_122 = arith.constant 0 : i32
    %dma_wait3A_123 = tpu.memref_slice %arg2[%dma_wait3A_121, %dma_wait3A_122] : memref<20000x128xf32, #tpu.memory_space<hbm>> -> memref<20000x128xf32, #tpu.memory_space<hbm>>
    tpu.wait_indirect_dma semaphore(%arg9 : memref<!tpu.dma_semaphore, #tpu.memory_space<semaphore_mem>>) src(%dma_wait3A_123 : memref<20000x128xf32, #tpu.memory_space<hbm>>) dst(%arg8 : memref<256x128xf32, #tpu.memory_space<vmem>>)
    %mul3A_124 = arith.constant 2048 : i32
    %mul3A_125 = arith.muli %add3A, %mul3A_124 : i32
    %add3A_126 = arith.constant 1280 : i32
    %add3A_127 = arith.addi %mul3A_125, %add3A_126 : i32
    %dma_start3A_128 = arith.constant 0 : i32
    %dma_start3A_129 = tpu.memref_slice %arg4[%add3A_127, %dma_start3A_128] : memref<65536x128xf32, #tpu.memory_space<hbm>> -> memref<256x128xf32, #tpu.memory_space<hbm>>
    %dma_start3A_130 = arith.constant 0 : i32
    %dma_start3A_131 = tpu.memref_slice %arg4[%add3A_127, %dma_start3A_130] : memref<65536x128xf32, #tpu.memory_space<hbm>> -> memref<256x128xf32, #tpu.memory_space<hbm>>
    tpu.enqueue_dma source(%arg8 : memref<256x128xf32, #tpu.memory_space<vmem>>) target(%dma_start3A_131 : memref<256x128xf32, #tpu.memory_space<hbm>>) target_semaphore(%arg10 : memref<!tpu.dma_semaphore, #tpu.memory_space<semaphore_mem>>)
    %dma_wait3A_132 = arith.constant 0 : i32
    %dma_wait3A_133 = tpu.memref_slice %arg4[%add3A_127, %dma_wait3A_132] : memref<65536x128xf32, #tpu.memory_space<hbm>> -> memref<256x128xf32, #tpu.memory_space<hbm>>
    %dma_wait3A_134 = arith.constant 0 : i32
    %dma_wait3A_135 = tpu.memref_slice %arg4[%add3A_127, %dma_wait3A_134] : memref<65536x128xf32, #tpu.memory_space<hbm>> -> memref<256x128xf32, #tpu.memory_space<hbm>>
    tpu.wait_dma2 semaphore(%arg10 : memref<!tpu.dma_semaphore, #tpu.memory_space<semaphore_mem>>) src(%arg8 : memref<256x128xf32, #tpu.memory_space<vmem>>) dst(%dma_wait3A_135 : memref<256x128xf32, #tpu.memory_space<hbm>>)
    %mul3A_136 = arith.constant 2048 : i32
    %mul3A_137 = arith.muli %add3A, %mul3A_136 : i32
    %add3A_138 = arith.constant 1792 : i32
    %add3A_139 = arith.addi %mul3A_137, %add3A_138 : i32
    "tpu.region"() ({
      %run_scoped3A = tpu.sem_alloc : memref<!tpu.dma_semaphore, #tpu.memory_space<semaphore_mem>>
      %dma_start3A_173 = tpu.memref_slice %arg3[%add3A_139] : memref<65536xi32, #tpu.memory_space<hbm>> -> memref<256xi32, #tpu.memory_space<hbm>>
      %dma_start3A_174 = tpu.memref_slice %arg3[%add3A_139] : memref<65536xi32, #tpu.memory_space<hbm>> -> memref<256xi32, #tpu.memory_space<hbm>>
      tpu.enqueue_dma source(%dma_start3A_174 : memref<256xi32, #tpu.memory_space<hbm>>) target(%arg6 : memref<256xi32, #tpu.memory_space<vmem>>) target_semaphore(%run_scoped3A : memref<!tpu.dma_semaphore, #tpu.memory_space<semaphore_mem>>)
      %dma_wait3A_175 = tpu.memref_slice %arg3[%add3A_139] : memref<65536xi32, #tpu.memory_space<hbm>> -> memref<256xi32, #tpu.memory_space<hbm>>
      %dma_wait3A_176 = tpu.memref_slice %arg3[%add3A_139] : memref<65536xi32, #tpu.memory_space<hbm>> -> memref<256xi32, #tpu.memory_space<hbm>>
      tpu.wait_dma2 semaphore(%run_scoped3A : memref<!tpu.dma_semaphore, #tpu.memory_space<semaphore_mem>>) src(%dma_wait3A_176 : memref<256xi32, #tpu.memory_space<hbm>>) dst(%arg6 : memref<256xi32, #tpu.memory_space<vmem>>)
      tpu.yield
    }) : () -> ()
    %dma_start3A_140 = arith.constant 0 : i32
    %dma_start3A_141 = arith.constant 0 : i32
    %dma_start3A_142 = tpu.memref_slice %arg2[%dma_start3A_140, %dma_start3A_141] : memref<20000x128xf32, #tpu.memory_space<hbm>> -> memref<20000x128xf32, #tpu.memory_space<hbm>>
    tpu.enqueue_indirect_dma source(%dma_start3A_142 : memref<20000x128xf32, #tpu.memory_space<hbm>>) target(%arg8 : memref<256x128xf32, #tpu.memory_space<vmem>>) offsets(%arg6 : memref<256xi32, #tpu.memory_space<vmem>>) semaphore(%arg9 : memref<!tpu.dma_semaphore, #tpu.memory_space<semaphore_mem>>)
    %dma_wait3A_143 = arith.constant 0 : i32
    %dma_wait3A_144 = arith.constant 0 : i32
    %dma_wait3A_145 = tpu.memref_slice %arg2[%dma_wait3A_143, %dma_wait3A_144] : memref<20000x128xf32, #tpu.memory_space<hbm>> -> memref<20000x128xf32, #tpu.memory_space<hbm>>
    tpu.wait_indirect_dma semaphore(%arg9 : memref<!tpu.dma_semaphore, #tpu.memory_space<semaphore_mem>>) src(%dma_wait3A_145 : memref<20000x128xf32, #tpu.memory_space<hbm>>) dst(%arg7 : memref<256x128xf32, #tpu.memory_space<vmem>>)
    %mul3A_146 = arith.constant 2048 : i32
    %mul3A_147 = arith.muli %add3A, %mul3A_146 : i32
    %add3A_148 = arith.constant 1536 : i32
    %add3A_149 = arith.addi %mul3A_147, %add3A_148 : i32
    %dma_start3A_150 = arith.constant 0 : i32
    %dma_start3A_151 = tpu.memref_slice %arg4[%add3A_149, %dma_start3A_150] : memref<65536x128xf32, #tpu.memory_space<hbm>> -> memref<256x128xf32, #tpu.memory_space<hbm>>
    %dma_start3A_152 = arith.constant 0 : i32
    %dma_start3A_153 = tpu.memref_slice %arg4[%add3A_149, %dma_start3A_152] : memref<65536x128xf32, #tpu.memory_space<hbm>> -> memref<256x128xf32, #tpu.memory_space<hbm>>
    tpu.enqueue_dma source(%arg7 : memref<256x128xf32, #tpu.memory_space<vmem>>) target(%dma_start3A_153 : memref<256x128xf32, #tpu.memory_space<hbm>>) target_semaphore(%arg10 : memref<!tpu.dma_semaphore, #tpu.memory_space<semaphore_mem>>)
    %dma_wait3A_154 = arith.constant 0 : i32
    %dma_wait3A_155 = tpu.memref_slice %arg4[%add3A_149, %dma_wait3A_154] : memref<65536x128xf32, #tpu.memory_space<hbm>> -> memref<256x128xf32, #tpu.memory_space<hbm>>
    %dma_wait3A_156 = arith.constant 0 : i32
    %dma_wait3A_157 = tpu.memref_slice %arg4[%add3A_149, %dma_wait3A_156] : memref<65536x128xf32, #tpu.memory_space<hbm>> -> memref<256x128xf32, #tpu.memory_space<hbm>>
    tpu.wait_dma2 semaphore(%arg10 : memref<!tpu.dma_semaphore, #tpu.memory_space<semaphore_mem>>) src(%arg7 : memref<256x128xf32, #tpu.memory_space<vmem>>) dst(%dma_wait3A_157 : memref<256x128xf32, #tpu.memory_space<hbm>>)
    %dma_wait3A_158 = arith.constant 0 : i32
    %dma_wait3A_159 = arith.constant 0 : i32
    %dma_wait3A_160 = tpu.memref_slice %arg2[%dma_wait3A_158, %dma_wait3A_159] : memref<20000x128xf32, #tpu.memory_space<hbm>> -> memref<20000x128xf32, #tpu.memory_space<hbm>>
    tpu.wait_indirect_dma semaphore(%arg9 : memref<!tpu.dma_semaphore, #tpu.memory_space<semaphore_mem>>) src(%dma_wait3A_160 : memref<20000x128xf32, #tpu.memory_space<hbm>>) dst(%arg8 : memref<256x128xf32, #tpu.memory_space<vmem>>)
    %mul3A_161 = arith.constant 2048 : i32
    %mul3A_162 = arith.muli %add3A, %mul3A_161 : i32
    %add3A_163 = arith.constant 1792 : i32
    %add3A_164 = arith.addi %mul3A_162, %add3A_163 : i32
    %dma_start3A_165 = arith.constant 0 : i32
    %dma_start3A_166 = tpu.memref_slice %arg4[%add3A_164, %dma_start3A_165] : memref<65536x128xf32, #tpu.memory_space<hbm>> -> memref<256x128xf32, #tpu.memory_space<hbm>>
    %dma_start3A_167 = arith.constant 0 : i32
    %dma_start3A_168 = tpu.memref_slice %arg4[%add3A_164, %dma_start3A_167] : memref<65536x128xf32, #tpu.memory_space<hbm>> -> memref<256x128xf32, #tpu.memory_space<hbm>>
    tpu.enqueue_dma source(%arg8 : memref<256x128xf32, #tpu.memory_space<vmem>>) target(%dma_start3A_168 : memref<256x128xf32, #tpu.memory_space<hbm>>) target_semaphore(%arg10 : memref<!tpu.dma_semaphore, #tpu.memory_space<semaphore_mem>>)
    %dma_wait3A_169 = arith.constant 0 : i32
    %dma_wait3A_170 = tpu.memref_slice %arg4[%add3A_164, %dma_wait3A_169] : memref<65536x128xf32, #tpu.memory_space<hbm>> -> memref<256x128xf32, #tpu.memory_space<hbm>>
    %dma_wait3A_171 = arith.constant 0 : i32
    %dma_wait3A_172 = tpu.memref_slice %arg4[%add3A_164, %dma_wait3A_171] : memref<65536x128xf32, #tpu.memory_space<hbm>> -> memref<256x128xf32, #tpu.memory_space<hbm>>
    tpu.wait_dma2 semaphore(%arg10 : memref<!tpu.dma_semaphore, #tpu.memory_space<semaphore_mem>>) src(%arg8 : memref<256x128xf32, #tpu.memory_space<vmem>>) dst(%dma_wait3A_172 : memref<256x128xf32, #tpu.memory_space<hbm>>)
    return
  }
}

module attributes {stable_mosaic.version = 14 : i64} {
  func.func @_topk_body(%arg0: i32, %arg1: i32, %arg2: memref<1x8x128xf32, #tpu.memory_space<vmem>>, %arg3: memref<1x8x10112xf32, #tpu.memory_space<vmem>>, %arg4: memref<1x16x128xi32, #tpu.memory_space<vmem>>) attributes {dimension_semantics = [#tpu.dimension_semantics<arbitrary>, #tpu.dimension_semantics<arbitrary>], iteration_bounds = array<i64: 2, 16>, scalar_prefetch = 0 : i64, scratch_operands = 0 : i64, tpu.core_type = #tpu.core_type<tc>, window_params = [{transform_indices = @transform_0, window_bounds = array<i64: 1, 8, 128>}, {transform_indices = @transform_1, window_bounds = array<i64: 1, 8, 10112>}, {transform_indices = @transform_2, window_bounds = array<i64: 1, 16, 128>}]} {
    %get3A = arith.constant 0 : index
    %get3A_0 = arith.constant 0 : index
    %get3A_1 = arith.constant 0 : index
    %get3A_2 = vector.load %arg2[%get3A, %get3A_0, %get3A_1] : memref<1x8x128xf32, #tpu.memory_space<vmem>>, vector<1x8x128xf32>
    %get3A_3 = vector.shape_cast %get3A_2 : vector<1x8x128xf32> to vector<8x128xf32>
    %get3A_4 = arith.constant 0 : index
    %get3A_5 = arith.constant 0 : index
    %get3A_6 = arith.constant 0 : index
    %get3A_7 = vector.load %arg3[%get3A_4, %get3A_5, %get3A_6] : memref<1x8x10112xf32, #tpu.memory_space<vmem>>, vector<1x8x10112xf32>
    %get3A_8 = vector.shape_cast %get3A_7 : vector<1x8x10112xf32> to vector<8x10112xf32>
    %mul3A = arith.constant -2.000000e+00 : f32
    %mul3A_9 = vector.broadcast %mul3A : f32 to vector<8x128xf32>
    %mul3A_10 = arith.mulf %get3A_3, %mul3A_9 : vector<8x128xf32>
    %dot_general3A = arith.constant dense<0.000000e+00> : vector<128x10112xf32>
    %dot_general3A_11 = tpu.matmul %mul3A_10, %get3A_8, %dot_general3A {dimension_numbers = #tpu.dot_dimension_numbers<[0], [0], [1], [1], [0, 1, 1, 1], [], []>, transpose_lhs_hint = false} : vector<8x128xf32>, vector<8x10112xf32>, vector<128x10112xf32> -> vector<128x10112xf32>
    %mul3A_12 = arith.mulf %get3A_3, %get3A_3 : vector<8x128xf32>
    %reduce_sum3A = arith.constant dense<0.000000e+00> : vector<128xf32>
    %reduce_sum3A_13 = vector.multi_reduction <add>, %mul3A_12, %reduce_sum3A [0] : vector<8x128xf32> to vector<128xf32>
    %mul3A_14 = arith.mulf %get3A_8, %get3A_8 : vector<8x10112xf32>
    %reduce_sum3A_15 = arith.constant dense<0.000000e+00> : vector<10112xf32>
    %reduce_sum3A_16 = vector.multi_reduction <add>, %mul3A_14, %reduce_sum3A_15 [0] : vector<8x10112xf32> to vector<10112xf32>
    %broadcast_in_dim3A = vector.shape_cast %reduce_sum3A_13 : vector<128xf32> to vector<128x1xf32>
    %add3A = vector.broadcast %broadcast_in_dim3A : vector<128x1xf32> to vector<128x10112xf32>
    %add3A_17 = arith.addf %dot_general3A_11, %add3A : vector<128x10112xf32>
    %broadcast_in_dim3A_18 = vector.shape_cast %reduce_sum3A_16 : vector<10112xf32> to vector<1x10112xf32>
    %add3A_19 = vector.broadcast %broadcast_in_dim3A_18 : vector<1x10112xf32> to vector<128x10112xf32>
    %add3A_20 = arith.addf %add3A_17, %add3A_19 : vector<128x10112xf32>
    %iota3A = tpu.iota {dimensions = array<i32: 1>} : vector<128x10112xi32>
    %argmin3A = tpu.reduce_index %add3A_20 {axis = 1 : i32, kind = #tpu.reduction_kind<arg_min>} : vector<128x10112xf32> -> vector<128xi32>
    %swap3A = arith.constant 0 : index
    %swap3A_21 = arith.constant 0 : index
    %swap3A_22 = arith.constant 0 : index
    %swap3A_23 = vector.load %arg4[%swap3A, %swap3A_21, %swap3A_22] : memref<1x16x128xi32, #tpu.memory_space<vmem>>, vector<1x1x128xi32>
    %swap3A_24 = vector.shape_cast %swap3A_23 : vector<1x1x128xi32> to vector<128xi32>
    %swap3A_25 = vector.shape_cast %argmin3A : vector<128xi32> to vector<1x1x128xi32>
    tpu.vector_store %arg4[%swap3A, %swap3A_21, %swap3A_22], %swap3A_25 {strides = array<i32>} : memref<1x16x128xi32, #tpu.memory_space<vmem>>, vector<1x1x128xi32>,
    %broadcast_in_dim3A_26 = vector.shape_cast %argmin3A : vector<128xi32> to vector<128x1xi32>
    %eq3A = vector.broadcast %broadcast_in_dim3A_26 : vector<128x1xi32> to vector<128x10112xi32>
    %eq3A_27 = arith.cmpi eq, %iota3A, %eq3A : vector<128x10112xi32>
    %jit3A = arith.constant 1.000000e+30 : f32
    %broadcast_in_dim3A_28 = vector.broadcast %jit3A : f32 to vector<128x10112xf32>
    %select_n3A = arith.select %eq3A_27, %broadcast_in_dim3A_28, %add3A_20 : vector<128x10112xi1>, vector<128x10112xf32>
    %argmin3A_29 = tpu.reduce_index %select_n3A {axis = 1 : i32, kind = #tpu.reduction_kind<arg_min>} : vector<128x10112xf32> -> vector<128xi32>
    %swap3A_30 = arith.constant 0 : index
    %swap3A_31 = arith.constant 1 : index
    %swap3A_32 = arith.constant 0 : index
    %swap3A_33 = vector.load %arg4[%swap3A_30, %swap3A_31, %swap3A_32] : memref<1x16x128xi32, #tpu.memory_space<vmem>>, vector<1x1x128xi32>
    %swap3A_34 = vector.shape_cast %swap3A_33 : vector<1x1x128xi32> to vector<128xi32>
    %swap3A_35 = vector.shape_cast %argmin3A_29 : vector<128xi32> to vector<1x1x128xi32>
    tpu.vector_store %arg4[%swap3A_30, %swap3A_31, %swap3A_32], %swap3A_35 {strides = array<i32>} : memref<1x16x128xi32, #tpu.memory_space<vmem>>, vector<1x1x128xi32>,
    %broadcast_in_dim3A_36 = vector.shape_cast %argmin3A_29 : vector<128xi32> to vector<128x1xi32>
    %eq3A_37 = vector.broadcast %broadcast_in_dim3A_36 : vector<128x1xi32> to vector<128x10112xi32>
    %eq3A_38 = arith.cmpi eq, %iota3A, %eq3A_37 : vector<128x10112xi32>
    %jit3A_39 = arith.constant 1.000000e+30 : f32
    %broadcast_in_dim3A_40 = vector.broadcast %jit3A_39 : f32 to vector<128x10112xf32>
    %select_n3A_41 = arith.select %eq3A_38, %broadcast_in_dim3A_40, %select_n3A : vector<128x10112xi1>, vector<128x10112xf32>
    %argmin3A_42 = tpu.reduce_index %select_n3A_41 {axis = 1 : i32, kind = #tpu.reduction_kind<arg_min>} : vector<128x10112xf32> -> vector<128xi32>
    %swap3A_43 = arith.constant 0 : index
    %swap3A_44 = arith.constant 2 : index
    %swap3A_45 = arith.constant 0 : index
    %swap3A_46 = vector.load %arg4[%swap3A_43, %swap3A_44, %swap3A_45] : memref<1x16x128xi32, #tpu.memory_space<vmem>>, vector<1x1x128xi32>
    %swap3A_47 = vector.shape_cast %swap3A_46 : vector<1x1x128xi32> to vector<128xi32>
    %swap3A_48 = vector.shape_cast %argmin3A_42 : vector<128xi32> to vector<1x1x128xi32>
    tpu.vector_store %arg4[%swap3A_43, %swap3A_44, %swap3A_45], %swap3A_48 {strides = array<i32>} : memref<1x16x128xi32, #tpu.memory_space<vmem>>, vector<1x1x128xi32>,
    %broadcast_in_dim3A_49 = vector.shape_cast %argmin3A_42 : vector<128xi32> to vector<128x1xi32>
    %eq3A_50 = vector.broadcast %broadcast_in_dim3A_49 : vector<128x1xi32> to vector<128x10112xi32>
    %eq3A_51 = arith.cmpi eq, %iota3A, %eq3A_50 : vector<128x10112xi32>
    %jit3A_52 = arith.constant 1.000000e+30 : f32
    %broadcast_in_dim3A_53 = vector.broadcast %jit3A_52 : f32 to vector<128x10112xf32>
    %select_n3A_54 = arith.select %eq3A_51, %broadcast_in_dim3A_53, %select_n3A_41 : vector<128x10112xi1>, vector<128x10112xf32>
    %argmin3A_55 = tpu.reduce_index %select_n3A_54 {axis = 1 : i32, kind = #tpu.reduction_kind<arg_min>} : vector<128x10112xf32> -> vector<128xi32>
    %swap3A_56 = arith.constant 0 : index
    %swap3A_57 = arith.constant 3 : index
    %swap3A_58 = arith.constant 0 : index
    %swap3A_59 = vector.load %arg4[%swap3A_56, %swap3A_57, %swap3A_58] : memref<1x16x128xi32, #tpu.memory_space<vmem>>, vector<1x1x128xi32>
    %swap3A_60 = vector.shape_cast %swap3A_59 : vector<1x1x128xi32> to vector<128xi32>
    %swap3A_61 = vector.shape_cast %argmin3A_55 : vector<128xi32> to vector<1x1x128xi32>
    tpu.vector_store %arg4[%swap3A_56, %swap3A_57, %swap3A_58], %swap3A_61 {strides = array<i32>} : memref<1x16x128xi32, #tpu.memory_space<vmem>>, vector<1x1x128xi32>,
    %broadcast_in_dim3A_62 = vector.shape_cast %argmin3A_55 : vector<128xi32> to vector<128x1xi32>
    %eq3A_63 = vector.broadcast %broadcast_in_dim3A_62 : vector<128x1xi32> to vector<128x10112xi32>
    %eq3A_64 = arith.cmpi eq, %iota3A, %eq3A_63 : vector<128x10112xi32>
    %jit3A_65 = arith.constant 1.000000e+30 : f32
    %broadcast_in_dim3A_66 = vector.broadcast %jit3A_65 : f32 to vector<128x10112xf32>
    %select_n3A_67 = arith.select %eq3A_64, %broadcast_in_dim3A_66, %select_n3A_54 : vector<128x10112xi1>, vector<128x10112xf32>
    %argmin3A_68 = tpu.reduce_index %select_n3A_67 {axis = 1 : i32, kind = #tpu.reduction_kind<arg_min>} : vector<128x10112xf32> -> vector<128xi32>
    %swap3A_69 = arith.constant 0 : index
    %swap3A_70 = arith.constant 4 : index
    %swap3A_71 = arith.constant 0 : index
    %swap3A_72 = vector.load %arg4[%swap3A_69, %swap3A_70, %swap3A_71] : memref<1x16x128xi32, #tpu.memory_space<vmem>>, vector<1x1x128xi32>
    %swap3A_73 = vector.shape_cast %swap3A_72 : vector<1x1x128xi32> to vector<128xi32>
    %swap3A_74 = vector.shape_cast %argmin3A_68 : vector<128xi32> to vector<1x1x128xi32>
    tpu.vector_store %arg4[%swap3A_69, %swap3A_70, %swap3A_71], %swap3A_74 {strides = array<i32>} : memref<1x16x128xi32, #tpu.memory_space<vmem>>, vector<1x1x128xi32>,
    %broadcast_in_dim3A_75 = vector.shape_cast %argmin3A_68 : vector<128xi32> to vector<128x1xi32>
    %eq3A_76 = vector.broadcast %broadcast_in_dim3A_75 : vector<128x1xi32> to vector<128x10112xi32>
    %eq3A_77 = arith.cmpi eq, %iota3A, %eq3A_76 : vector<128x10112xi32>
    %jit3A_78 = arith.constant 1.000000e+30 : f32
    %broadcast_in_dim3A_79 = vector.broadcast %jit3A_78 : f32 to vector<128x10112xf32>
    %select_n3A_80 = arith.select %eq3A_77, %broadcast_in_dim3A_79, %select_n3A_67 : vector<128x10112xi1>, vector<128x10112xf32>
    %argmin3A_81 = tpu.reduce_index %select_n3A_80 {axis = 1 : i32, kind = #tpu.reduction_kind<arg_min>} : vector<128x10112xf32> -> vector<128xi32>
    %swap3A_82 = arith.constant 0 : index
    %swap3A_83 = arith.constant 5 : index
    %swap3A_84 = arith.constant 0 : index
    %swap3A_85 = vector.load %arg4[%swap3A_82, %swap3A_83, %swap3A_84] : memref<1x16x128xi32, #tpu.memory_space<vmem>>, vector<1x1x128xi32>
    %swap3A_86 = vector.shape_cast %swap3A_85 : vector<1x1x128xi32> to vector<128xi32>
    %swap3A_87 = vector.shape_cast %argmin3A_81 : vector<128xi32> to vector<1x1x128xi32>
    tpu.vector_store %arg4[%swap3A_82, %swap3A_83, %swap3A_84], %swap3A_87 {strides = array<i32>} : memref<1x16x128xi32, #tpu.memory_space<vmem>>, vector<1x1x128xi32>,
    %broadcast_in_dim3A_88 = vector.shape_cast %argmin3A_81 : vector<128xi32> to vector<128x1xi32>
    %eq3A_89 = vector.broadcast %broadcast_in_dim3A_88 : vector<128x1xi32> to vector<128x10112xi32>
    %eq3A_90 = arith.cmpi eq, %iota3A, %eq3A_89 : vector<128x10112xi32>
    %jit3A_91 = arith.constant 1.000000e+30 : f32
    %broadcast_in_dim3A_92 = vector.broadcast %jit3A_91 : f32 to vector<128x10112xf32>
    %select_n3A_93 = arith.select %eq3A_90, %broadcast_in_dim3A_92, %select_n3A_80 : vector<128x10112xi1>, vector<128x10112xf32>
    %argmin3A_94 = tpu.reduce_index %select_n3A_93 {axis = 1 : i32, kind = #tpu.reduction_kind<arg_min>} : vector<128x10112xf32> -> vector<128xi32>
    %swap3A_95 = arith.constant 0 : index
    %swap3A_96 = arith.constant 6 : index
    %swap3A_97 = arith.constant 0 : index
    %swap3A_98 = vector.load %arg4[%swap3A_95, %swap3A_96, %swap3A_97] : memref<1x16x128xi32, #tpu.memory_space<vmem>>, vector<1x1x128xi32>
    %swap3A_99 = vector.shape_cast %swap3A_98 : vector<1x1x128xi32> to vector<128xi32>
    %swap3A_100 = vector.shape_cast %argmin3A_94 : vector<128xi32> to vector<1x1x128xi32>
    tpu.vector_store %arg4[%swap3A_95, %swap3A_96, %swap3A_97], %swap3A_100 {strides = array<i32>} : memref<1x16x128xi32, #tpu.memory_space<vmem>>, vector<1x1x128xi32>,
    %broadcast_in_dim3A_101 = vector.shape_cast %argmin3A_94 : vector<128xi32> to vector<128x1xi32>
    %eq3A_102 = vector.broadcast %broadcast_in_dim3A_101 : vector<128x1xi32> to vector<128x10112xi32>
    %eq3A_103 = arith.cmpi eq, %iota3A, %eq3A_102 : vector<128x10112xi32>
    %jit3A_104 = arith.constant 1.000000e+30 : f32
    %broadcast_in_dim3A_105 = vector.broadcast %jit3A_104 : f32 to vector<128x10112xf32>
    %select_n3A_106 = arith.select %eq3A_103, %broadcast_in_dim3A_105, %select_n3A_93 : vector<128x10112xi1>, vector<128x10112xf32>
    %argmin3A_107 = tpu.reduce_index %select_n3A_106 {axis = 1 : i32, kind = #tpu.reduction_kind<arg_min>} : vector<128x10112xf32> -> vector<128xi32>
    %swap3A_108 = arith.constant 0 : index
    %swap3A_109 = arith.constant 7 : index
    %swap3A_110 = arith.constant 0 : index
    %swap3A_111 = vector.load %arg4[%swap3A_108, %swap3A_109, %swap3A_110] : memref<1x16x128xi32, #tpu.memory_space<vmem>>, vector<1x1x128xi32>
    %swap3A_112 = vector.shape_cast %swap3A_111 : vector<1x1x128xi32> to vector<128xi32>
    %swap3A_113 = vector.shape_cast %argmin3A_107 : vector<128xi32> to vector<1x1x128xi32>
    tpu.vector_store %arg4[%swap3A_108, %swap3A_109, %swap3A_110], %swap3A_113 {strides = array<i32>} : memref<1x16x128xi32, #tpu.memory_space<vmem>>, vector<1x1x128xi32>,
    %broadcast_in_dim3A_114 = vector.shape_cast %argmin3A_107 : vector<128xi32> to vector<128x1xi32>
    %eq3A_115 = vector.broadcast %broadcast_in_dim3A_114 : vector<128x1xi32> to vector<128x10112xi32>
    %eq3A_116 = arith.cmpi eq, %iota3A, %eq3A_115 : vector<128x10112xi32>
    %jit3A_117 = arith.constant 1.000000e+30 : f32
    %broadcast_in_dim3A_118 = vector.broadcast %jit3A_117 : f32 to vector<128x10112xf32>
    %select_n3A_119 = arith.select %eq3A_116, %broadcast_in_dim3A_118, %select_n3A_106 : vector<128x10112xi1>, vector<128x10112xf32>
    %argmin3A_120 = tpu.reduce_index %select_n3A_119 {axis = 1 : i32, kind = #tpu.reduction_kind<arg_min>} : vector<128x10112xf32> -> vector<128xi32>
    %swap3A_121 = arith.constant 0 : index
    %swap3A_122 = arith.constant 8 : index
    %swap3A_123 = arith.constant 0 : index
    %swap3A_124 = vector.load %arg4[%swap3A_121, %swap3A_122, %swap3A_123] : memref<1x16x128xi32, #tpu.memory_space<vmem>>, vector<1x1x128xi32>
    %swap3A_125 = vector.shape_cast %swap3A_124 : vector<1x1x128xi32> to vector<128xi32>
    %swap3A_126 = vector.shape_cast %argmin3A_120 : vector<128xi32> to vector<1x1x128xi32>
    tpu.vector_store %arg4[%swap3A_121, %swap3A_122, %swap3A_123], %swap3A_126 {strides = array<i32>} : memref<1x16x128xi32, #tpu.memory_space<vmem>>, vector<1x1x128xi32>,
    %broadcast_in_dim3A_127 = vector.shape_cast %argmin3A_120 : vector<128xi32> to vector<128x1xi32>
    %eq3A_128 = vector.broadcast %broadcast_in_dim3A_127 : vector<128x1xi32> to vector<128x10112xi32>
    %eq3A_129 = arith.cmpi eq, %iota3A, %eq3A_128 : vector<128x10112xi32>
    %jit3A_130 = arith.constant 1.000000e+30 : f32
    %broadcast_in_dim3A_131 = vector.broadcast %jit3A_130 : f32 to vector<128x10112xf32>
    %select_n3A_132 = arith.select %eq3A_129, %broadcast_in_dim3A_131, %select_n3A_119 : vector<128x10112xi1>, vector<128x10112xf32>
    %argmin3A_133 = tpu.reduce_index %select_n3A_132 {axis = 1 : i32, kind = #tpu.reduction_kind<arg_min>} : vector<128x10112xf32> -> vector<128xi32>
    %swap3A_134 = arith.constant 0 : index
    %swap3A_135 = arith.constant 9 : index
    %swap3A_136 = arith.constant 0 : index
    %swap3A_137 = vector.load %arg4[%swap3A_134, %swap3A_135, %swap3A_136] : memref<1x16x128xi32, #tpu.memory_space<vmem>>, vector<1x1x128xi32>
    %swap3A_138 = vector.shape_cast %swap3A_137 : vector<1x1x128xi32> to vector<128xi32>
    %swap3A_139 = vector.shape_cast %argmin3A_133 : vector<128xi32> to vector<1x1x128xi32>
    tpu.vector_store %arg4[%swap3A_134, %swap3A_135, %swap3A_136], %swap3A_139 {strides = array<i32>} : memref<1x16x128xi32, #tpu.memory_space<vmem>>, vector<1x1x128xi32>,
    %broadcast_in_dim3A_140 = vector.shape_cast %argmin3A_133 : vector<128xi32> to vector<128x1xi32>
    %eq3A_141 = vector.broadcast %broadcast_in_dim3A_140 : vector<128x1xi32> to vector<128x10112xi32>
    %eq3A_142 = arith.cmpi eq, %iota3A, %eq3A_141 : vector<128x10112xi32>
    %jit3A_143 = arith.constant 1.000000e+30 : f32
    %broadcast_in_dim3A_144 = vector.broadcast %jit3A_143 : f32 to vector<128x10112xf32>
    %select_n3A_145 = arith.select %eq3A_142, %broadcast_in_dim3A_144, %select_n3A_132 : vector<128x10112xi1>, vector<128x10112xf32>
    %argmin3A_146 = tpu.reduce_index %select_n3A_145 {axis = 1 : i32, kind = #tpu.reduction_kind<arg_min>} : vector<128x10112xf32> -> vector<128xi32>
    %swap3A_147 = arith.constant 0 : index
    %swap3A_148 = arith.constant 10 : index
    %swap3A_149 = arith.constant 0 : index
    %swap3A_150 = vector.load %arg4[%swap3A_147, %swap3A_148, %swap3A_149] : memref<1x16x128xi32, #tpu.memory_space<vmem>>, vector<1x1x128xi32>
    %swap3A_151 = vector.shape_cast %swap3A_150 : vector<1x1x128xi32> to vector<128xi32>
    %swap3A_152 = vector.shape_cast %argmin3A_146 : vector<128xi32> to vector<1x1x128xi32>
    tpu.vector_store %arg4[%swap3A_147, %swap3A_148, %swap3A_149], %swap3A_152 {strides = array<i32>} : memref<1x16x128xi32, #tpu.memory_space<vmem>>, vector<1x1x128xi32>,
    %broadcast_in_dim3A_153 = vector.shape_cast %argmin3A_146 : vector<128xi32> to vector<128x1xi32>
    %eq3A_154 = vector.broadcast %broadcast_in_dim3A_153 : vector<128x1xi32> to vector<128x10112xi32>
    %eq3A_155 = arith.cmpi eq, %iota3A, %eq3A_154 : vector<128x10112xi32>
    %jit3A_156 = arith.constant 1.000000e+30 : f32
    %broadcast_in_dim3A_157 = vector.broadcast %jit3A_156 : f32 to vector<128x10112xf32>
    %select_n3A_158 = arith.select %eq3A_155, %broadcast_in_dim3A_157, %select_n3A_145 : vector<128x10112xi1>, vector<128x10112xf32>
    %argmin3A_159 = tpu.reduce_index %select_n3A_158 {axis = 1 : i32, kind = #tpu.reduction_kind<arg_min>} : vector<128x10112xf32> -> vector<128xi32>
    %swap3A_160 = arith.constant 0 : index
    %swap3A_161 = arith.constant 11 : index
    %swap3A_162 = arith.constant 0 : index
    %swap3A_163 = vector.load %arg4[%swap3A_160, %swap3A_161, %swap3A_162] : memref<1x16x128xi32, #tpu.memory_space<vmem>>, vector<1x1x128xi32>
    %swap3A_164 = vector.shape_cast %swap3A_163 : vector<1x1x128xi32> to vector<128xi32>
    %swap3A_165 = vector.shape_cast %argmin3A_159 : vector<128xi32> to vector<1x1x128xi32>
    tpu.vector_store %arg4[%swap3A_160, %swap3A_161, %swap3A_162], %swap3A_165 {strides = array<i32>} : memref<1x16x128xi32, #tpu.memory_space<vmem>>, vector<1x1x128xi32>,
    %broadcast_in_dim3A_166 = vector.shape_cast %argmin3A_159 : vector<128xi32> to vector<128x1xi32>
    %eq3A_167 = vector.broadcast %broadcast_in_dim3A_166 : vector<128x1xi32> to vector<128x10112xi32>
    %eq3A_168 = arith.cmpi eq, %iota3A, %eq3A_167 : vector<128x10112xi32>
    %jit3A_169 = arith.constant 1.000000e+30 : f32
    %broadcast_in_dim3A_170 = vector.broadcast %jit3A_169 : f32 to vector<128x10112xf32>
    %select_n3A_171 = arith.select %eq3A_168, %broadcast_in_dim3A_170, %select_n3A_158 : vector<128x10112xi1>, vector<128x10112xf32>
    %argmin3A_172 = tpu.reduce_index %select_n3A_171 {axis = 1 : i32, kind = #tpu.reduction_kind<arg_min>} : vector<128x10112xf32> -> vector<128xi32>
    %swap3A_173 = arith.constant 0 : index
    %swap3A_174 = arith.constant 12 : index
    %swap3A_175 = arith.constant 0 : index
    %swap3A_176 = vector.load %arg4[%swap3A_173, %swap3A_174, %swap3A_175] : memref<1x16x128xi32, #tpu.memory_space<vmem>>, vector<1x1x128xi32>
    %swap3A_177 = vector.shape_cast %swap3A_176 : vector<1x1x128xi32> to vector<128xi32>
    %swap3A_178 = vector.shape_cast %argmin3A_172 : vector<128xi32> to vector<1x1x128xi32>
    tpu.vector_store %arg4[%swap3A_173, %swap3A_174, %swap3A_175], %swap3A_178 {strides = array<i32>} : memref<1x16x128xi32, #tpu.memory_space<vmem>>, vector<1x1x128xi32>,
    %broadcast_in_dim3A_179 = vector.shape_cast %argmin3A_172 : vector<128xi32> to vector<128x1xi32>
    %eq3A_180 = vector.broadcast %broadcast_in_dim3A_179 : vector<128x1xi32> to vector<128x10112xi32>
    %eq3A_181 = arith.cmpi eq, %iota3A, %eq3A_180 : vector<128x10112xi32>
    %jit3A_182 = arith.constant 1.000000e+30 : f32
    %broadcast_in_dim3A_183 = vector.broadcast %jit3A_182 : f32 to vector<128x10112xf32>
    %select_n3A_184 = arith.select %eq3A_181, %broadcast_in_dim3A_183, %select_n3A_171 : vector<128x10112xi1>, vector<128x10112xf32>
    %argmin3A_185 = tpu.reduce_index %select_n3A_184 {axis = 1 : i32, kind = #tpu.reduction_kind<arg_min>} : vector<128x10112xf32> -> vector<128xi32>
    %swap3A_186 = arith.constant 0 : index
    %swap3A_187 = arith.constant 13 : index
    %swap3A_188 = arith.constant 0 : index
    %swap3A_189 = vector.load %arg4[%swap3A_186, %swap3A_187, %swap3A_188] : memref<1x16x128xi32, #tpu.memory_space<vmem>>, vector<1x1x128xi32>
    %swap3A_190 = vector.shape_cast %swap3A_189 : vector<1x1x128xi32> to vector<128xi32>
    %swap3A_191 = vector.shape_cast %argmin3A_185 : vector<128xi32> to vector<1x1x128xi32>
    tpu.vector_store %arg4[%swap3A_186, %swap3A_187, %swap3A_188], %swap3A_191 {strides = array<i32>} : memref<1x16x128xi32, #tpu.memory_space<vmem>>, vector<1x1x128xi32>,
    %broadcast_in_dim3A_192 = vector.shape_cast %argmin3A_185 : vector<128xi32> to vector<128x1xi32>
    %eq3A_193 = vector.broadcast %broadcast_in_dim3A_192 : vector<128x1xi32> to vector<128x10112xi32>
    %eq3A_194 = arith.cmpi eq, %iota3A, %eq3A_193 : vector<128x10112xi32>
    %jit3A_195 = arith.constant 1.000000e+30 : f32
    %broadcast_in_dim3A_196 = vector.broadcast %jit3A_195 : f32 to vector<128x10112xf32>
    %select_n3A_197 = arith.select %eq3A_194, %broadcast_in_dim3A_196, %select_n3A_184 : vector<128x10112xi1>, vector<128x10112xf32>
    %argmin3A_198 = tpu.reduce_index %select_n3A_197 {axis = 1 : i32, kind = #tpu.reduction_kind<arg_min>} : vector<128x10112xf32> -> vector<128xi32>
    %swap3A_199 = arith.constant 0 : index
    %swap3A_200 = arith.constant 14 : index
    %swap3A_201 = arith.constant 0 : index
    %swap3A_202 = vector.load %arg4[%swap3A_199, %swap3A_200, %swap3A_201] : memref<1x16x128xi32, #tpu.memory_space<vmem>>, vector<1x1x128xi32>
    %swap3A_203 = vector.shape_cast %swap3A_202 : vector<1x1x128xi32> to vector<128xi32>
    %swap3A_204 = vector.shape_cast %argmin3A_198 : vector<128xi32> to vector<1x1x128xi32>
    tpu.vector_store %arg4[%swap3A_199, %swap3A_200, %swap3A_201], %swap3A_204 {strides = array<i32>} : memref<1x16x128xi32, #tpu.memory_space<vmem>>, vector<1x1x128xi32>,
    %broadcast_in_dim3A_205 = vector.shape_cast %argmin3A_198 : vector<128xi32> to vector<128x1xi32>
    %eq3A_206 = vector.broadcast %broadcast_in_dim3A_205 : vector<128x1xi32> to vector<128x10112xi32>
    %eq3A_207 = arith.cmpi eq, %iota3A, %eq3A_206 : vector<128x10112xi32>
    %jit3A_208 = arith.constant 1.000000e+30 : f32
    %broadcast_in_dim3A_209 = vector.broadcast %jit3A_208 : f32 to vector<128x10112xf32>
    %select_n3A_210 = arith.select %eq3A_207, %broadcast_in_dim3A_209, %select_n3A_197 : vector<128x10112xi1>, vector<128x10112xf32>
    %argmin3A_211 = tpu.reduce_index %select_n3A_210 {axis = 1 : i32, kind = #tpu.reduction_kind<arg_min>} : vector<128x10112xf32> -> vector<128xi32>
    %swap3A_212 = arith.constant 0 : index
    %swap3A_213 = arith.constant 15 : index
    %swap3A_214 = arith.constant 0 : index
    %swap3A_215 = vector.load %arg4[%swap3A_212, %swap3A_213, %swap3A_214] : memref<1x16x128xi32, #tpu.memory_space<vmem>>, vector<1x1x128xi32>
    %swap3A_216 = vector.shape_cast %swap3A_215 : vector<1x1x128xi32> to vector<128xi32>
    %swap3A_217 = vector.shape_cast %argmin3A_211 : vector<128xi32> to vector<1x1x128xi32>
    tpu.vector_store %arg4[%swap3A_212, %swap3A_213, %swap3A_214], %swap3A_217 {strides = array<i32>} : memref<1x16x128xi32, #tpu.memory_space<vmem>>, vector<1x1x128xi32>,
    return
  }
  func.func @transform_0(%arg0: i32, %arg1: i32) -> (i32, i32, i32) {
    %c0_i32 = arith.constant 0 : i32
    %c0_i32_0 = arith.constant 0 : i32
    return %arg0, %c0_i32, %arg1 : i32, i32, i32
  }
  func.func @transform_1(%arg0: i32, %arg1: i32) -> (i32, i32, i32) {
    %c0_i32 = arith.constant 0 : i32
    %c0_i32_0 = arith.constant 0 : i32
    %c0_i32_1 = arith.constant 0 : i32
    return %arg0, %c0_i32, %c0_i32_0 : i32, i32, i32
  }
  func.func @transform_2(%arg0: i32, %arg1: i32) -> (i32, i32, i32) {
    %c0_i32 = arith.constant 0 : i32
    %c0_i32_0 = arith.constant 0 : i32
    return %arg0, %c0_i32, %arg1 : i32, i32, i32
  }
}

module attributes {stable_mosaic.version = 14 : i64} {
  func.func @_attn_body(%arg0: i32, %arg1: i32, %arg2: memref<1x16x512x128xf32, #tpu.memory_space<vmem>>, %arg3: memref<1x8x512xf32, #tpu.memory_space<vmem>>, %arg4: memref<1x8x512xf32, #tpu.memory_space<vmem>>, %arg5: memref<1x512x64xf32, #tpu.memory_space<vmem>>, %arg6: memref<2x64xf32, #tpu.memory_space<vmem>>, %arg7: memref<128x64xf32, #tpu.memory_space<vmem>>, %arg8: memref<128x64xf32, #tpu.memory_space<vmem>>, %arg9: memref<128x64xf32, #tpu.memory_space<vmem>>, %arg10: memref<8x64xf32, #tpu.memory_space<vmem>>, %arg11: memref<1x64xf32, #tpu.memory_space<vmem>>, %arg12: memref<64x64xf32, #tpu.memory_space<vmem>>, %arg13: memref<1x64xf32, #tpu.memory_space<vmem>>, %arg14: memref<64x64xf32, #tpu.memory_space<vmem>>, %arg15: memref<1x64xf32, #tpu.memory_space<vmem>>, %arg16: memref<64x64xf32, #tpu.memory_space<vmem>>, %arg17: memref<1x64xf32, #tpu.memory_space<vmem>>, %arg18: memref<64x64xf32, #tpu.memory_space<vmem>>, %arg19: memref<64x64xf32, #tpu.memory_space<vmem>>, %arg20: memref<64x64xf32, #tpu.memory_space<vmem>>, %arg21: memref<64x64xf32, #tpu.memory_space<vmem>>, %arg22: memref<64x64xf32, #tpu.memory_space<vmem>>, %arg23: memref<1x512x64xf32, #tpu.memory_space<vmem>>) attributes {dimension_semantics = [#tpu.dimension_semantics<arbitrary>, #tpu.dimension_semantics<arbitrary>], iteration_bounds = array<i64: 2, 4>, scalar_prefetch = 0 : i64, scratch_operands = 0 : i64, tpu.core_type = #tpu.core_type<tc>, window_params = [{transform_indices = @transform_0, window_bounds = array<i64: 1, 16, 512, 128>}, {transform_indices = @transform_1, window_bounds = array<i64: 1, 8, 512>}, {transform_indices = @transform_2, window_bounds = array<i64: 1, 8, 512>}, {transform_indices = @transform_3, window_bounds = array<i64: 1, 512, 64>}, {pipeline_mode = #tpu.pipeline_mode<synchronous>, transform_indices = @transform_4, window_bounds = array<i64: 2, 64>}, {pipeline_mode = #tpu.pipeline_mode<synchronous>, transform_indices = @transform_5, window_bounds = array<i64: 128, 64>}, {pipeline_mode = #tpu.pipeline_mode<synchronous>, transform_indices = @transform_6, window_bounds = array<i64: 128, 64>}, {pipeline_mode = #tpu.pipeline_mode<synchronous>, transform_indices = @transform_7, window_bounds = array<i64: 128, 64>}, {pipeline_mode = #tpu.pipeline_mode<synchronous>, transform_indices = @transform_8, window_bounds = array<i64: 8, 64>}, {pipeline_mode = #tpu.pipeline_mode<synchronous>, transform_indices = @transform_9, window_bounds = array<i64: 1, 64>}, {pipeline_mode = #tpu.pipeline_mode<synchronous>, transform_indices = @transform_10, window_bounds = array<i64: 64, 64>}, {pipeline_mode = #tpu.pipeline_mode<synchronous>, transform_indices = @transform_11, window_bounds = array<i64: 1, 64>}, {pipeline_mode = #tpu.pipeline_mode<synchronous>, transform_indices = @transform_12, window_bounds = array<i64: 64, 64>}, {pipeline_mode = #tpu.pipeline_mode<synchronous>, transform_indices = @transform_13, window_bounds = array<i64: 1, 64>}, {pipeline_mode = #tpu.pipeline_mode<synchronous>, transform_indices = @transform_14, window_bounds = array<i64: 64, 64>}, {pipeline_mode = #tpu.pipeline_mode<synchronous>, transform_indices = @transform_15, window_bounds = array<i64: 1, 64>}, {pipeline_mode = #tpu.pipeline_mode<synchronous>, transform_indices = @transform_16, window_bounds = array<i64: 64, 64>}, {pipeline_mode = #tpu.pipeline_mode<synchronous>, transform_indices = @transform_17, window_bounds = array<i64: 64, 64>}, {pipeline_mode = #tpu.pipeline_mode<synchronous>, transform_indices = @transform_18, window_bounds = array<i64: 64, 64>}, {pipeline_mode = #tpu.pipeline_mode<synchronous>, transform_indices = @transform_19, window_bounds = array<i64: 64, 64>}, {pipeline_mode = #tpu.pipeline_mode<synchronous>, transform_indices = @transform_20, window_bounds = array<i64: 64, 64>}, {transform_indices = @transform_21, window_bounds = array<i64: 1, 512, 64>}]} {
    %get3A = arith.constant 0 : index
    %get3A_0 = arith.constant 0 : index
    %get3A_1 = arith.constant 0 : index
    %get3A_2 = arith.constant 0 : index
    %get3A_3 = vector.load %arg2[%get3A, %get3A_0, %get3A_1, %get3A_2] : memref<1x16x512x128xf32, #tpu.memory_space<vmem>>, vector<1x16x512x128xf32>
    %get3A_4 = vector.shape_cast %get3A_3 : vector<1x16x512x128xf32> to vector<16x512x128xf32>
    %get3A_5 = arith.constant 0 : index
    %get3A_6 = arith.constant 0 : index
    %get3A_7 = arith.constant 0 : index
    %get3A_8 = vector.load %arg3[%get3A_5, %get3A_6, %get3A_7] : memref<1x8x512xf32, #tpu.memory_space<vmem>>, vector<1x8x512xf32>
    %get3A_9 = vector.shape_cast %get3A_8 : vector<1x8x512xf32> to vector<8x512xf32>
    %get3A_10 = arith.constant 0 : index
    %get3A_11 = arith.constant 0 : index
    %get3A_12 = arith.constant 0 : index
    %get3A_13 = vector.load %arg4[%get3A_10, %get3A_11, %get3A_12] : memref<1x8x512xf32, #tpu.memory_space<vmem>>, vector<1x8x512xf32>
    %get3A_14 = vector.shape_cast %get3A_13 : vector<1x8x512xf32> to vector<8x512xf32>
    %get3A_15 = arith.constant 0 : index
    %get3A_16 = arith.constant 0 : index
    %get3A_17 = arith.constant 0 : index
    %get3A_18 = vector.load %arg5[%get3A_15, %get3A_16, %get3A_17] : memref<1x512x64xf32, #tpu.memory_space<vmem>>, vector<1x512x64xf32>
    %get3A_19 = vector.shape_cast %get3A_18 : vector<1x512x64xf32> to vector<512x64xf32>
    %get3A_20 = arith.index_cast %arg0 : i32 to index
    %get3A_21 = arith.constant 0 : index
    %get3A_22 = vector.load %arg6[%get3A_20, %get3A_21] : memref<2x64xf32, #tpu.memory_space<vmem>>, vector<1x64xf32>
    %slice3A = vector.extract_strided_slice %get3A_4 {offsets = [0, 0, 0], sizes = [1, 512, 128], strides = [1, 1, 1]} : vector<16x512x128xf32> to vector<1x512x128xf32>
    %squeeze3A = vector.shape_cast %slice3A : vector<1x512x128xf32> to vector<512x128xf32>
    %slice3A_23 = vector.extract_strided_slice %get3A_4 {offsets = [1, 0, 0], sizes = [1, 512, 128], strides = [1, 1, 1]} : vector<16x512x128xf32> to vector<1x512x128xf32>
    %squeeze3A_24 = vector.shape_cast %slice3A_23 : vector<1x512x128xf32> to vector<512x128xf32>
    %slice3A_25 = vector.extract_strided_slice %get3A_4 {offsets = [2, 0, 0], sizes = [1, 512, 128], strides = [1, 1, 1]} : vector<16x512x128xf32> to vector<1x512x128xf32>
    %squeeze3A_26 = vector.shape_cast %slice3A_25 : vector<1x512x128xf32> to vector<512x128xf32>
    %slice3A_27 = vector.extract_strided_slice %get3A_4 {offsets = [3, 0, 0], sizes = [1, 512, 128], strides = [1, 1, 1]} : vector<16x512x128xf32> to vector<1x512x128xf32>
    %squeeze3A_28 = vector.shape_cast %slice3A_27 : vector<1x512x128xf32> to vector<512x128xf32>
    %slice3A_29 = vector.extract_strided_slice %get3A_4 {offsets = [4, 0, 0], sizes = [1, 512, 128], strides = [1, 1, 1]} : vector<16x512x128xf32> to vector<1x512x128xf32>
    %squeeze3A_30 = vector.shape_cast %slice3A_29 : vector<1x512x128xf32> to vector<512x128xf32>
    %slice3A_31 = vector.extract_strided_slice %get3A_4 {offsets = [5, 0, 0], sizes = [1, 512, 128], strides = [1, 1, 1]} : vector<16x512x128xf32> to vector<1x512x128xf32>
    %squeeze3A_32 = vector.shape_cast %slice3A_31 : vector<1x512x128xf32> to vector<512x128xf32>
    %slice3A_33 = vector.extract_strided_slice %get3A_4 {offsets = [6, 0, 0], sizes = [1, 512, 128], strides = [1, 1, 1]} : vector<16x512x128xf32> to vector<1x512x128xf32>
    %squeeze3A_34 = vector.shape_cast %slice3A_33 : vector<1x512x128xf32> to vector<512x128xf32>
    %slice3A_35 = vector.extract_strided_slice %get3A_4 {offsets = [7, 0, 0], sizes = [1, 512, 128], strides = [1, 1, 1]} : vector<16x512x128xf32> to vector<1x512x128xf32>
    %squeeze3A_36 = vector.shape_cast %slice3A_35 : vector<1x512x128xf32> to vector<512x128xf32>
    %slice3A_37 = vector.extract_strided_slice %get3A_4 {offsets = [8, 0, 0], sizes = [1, 512, 128], strides = [1, 1, 1]} : vector<16x512x128xf32> to vector<1x512x128xf32>
    %squeeze3A_38 = vector.shape_cast %slice3A_37 : vector<1x512x128xf32> to vector<512x128xf32>
    %slice3A_39 = vector.extract_strided_slice %get3A_4 {offsets = [9, 0, 0], sizes = [1, 512, 128], strides = [1, 1, 1]} : vector<16x512x128xf32> to vector<1x512x128xf32>
    %squeeze3A_40 = vector.shape_cast %slice3A_39 : vector<1x512x128xf32> to vector<512x128xf32>
    %slice3A_41 = vector.extract_strided_slice %get3A_4 {offsets = [10, 0, 0], sizes = [1, 512, 128], strides = [1, 1, 1]} : vector<16x512x128xf32> to vector<1x512x128xf32>
    %squeeze3A_42 = vector.shape_cast %slice3A_41 : vector<1x512x128xf32> to vector<512x128xf32>
    %slice3A_43 = vector.extract_strided_slice %get3A_4 {offsets = [11, 0, 0], sizes = [1, 512, 128], strides = [1, 1, 1]} : vector<16x512x128xf32> to vector<1x512x128xf32>
    %squeeze3A_44 = vector.shape_cast %slice3A_43 : vector<1x512x128xf32> to vector<512x128xf32>
    %slice3A_45 = vector.extract_strided_slice %get3A_4 {offsets = [12, 0, 0], sizes = [1, 512, 128], strides = [1, 1, 1]} : vector<16x512x128xf32> to vector<1x512x128xf32>
    %squeeze3A_46 = vector.shape_cast %slice3A_45 : vector<1x512x128xf32> to vector<512x128xf32>
    %slice3A_47 = vector.extract_strided_slice %get3A_4 {offsets = [13, 0, 0], sizes = [1, 512, 128], strides = [1, 1, 1]} : vector<16x512x128xf32> to vector<1x512x128xf32>
    %squeeze3A_48 = vector.shape_cast %slice3A_47 : vector<1x512x128xf32> to vector<512x128xf32>
    %slice3A_49 = vector.extract_strided_slice %get3A_4 {offsets = [14, 0, 0], sizes = [1, 512, 128], strides = [1, 1, 1]} : vector<16x512x128xf32> to vector<1x512x128xf32>
    %squeeze3A_50 = vector.shape_cast %slice3A_49 : vector<1x512x128xf32> to vector<512x128xf32>
    %slice3A_51 = vector.extract_strided_slice %get3A_4 {offsets = [15, 0, 0], sizes = [1, 512, 128], strides = [1, 1, 1]} : vector<16x512x128xf32> to vector<1x512x128xf32>
    %squeeze3A_52 = vector.shape_cast %slice3A_51 : vector<1x512x128xf32> to vector<512x128xf32>
    %concatenate3A = tpu.concatenate %squeeze3A, %squeeze3A_24, %squeeze3A_26, %squeeze3A_28, %squeeze3A_30, %squeeze3A_32, %squeeze3A_34, %squeeze3A_36, %squeeze3A_38, %squeeze3A_40, %squeeze3A_42, %squeeze3A_44, %squeeze3A_46, %squeeze3A_48, %squeeze3A_50, %squeeze3A_52 in 0 : vector<512x128xf32>, vector<512x128xf32>, vector<512x128xf32>, vector<512x128xf32>, vector<512x128xf32>, vector<512x128xf32>, vector<512x128xf32>, vector<512x128xf32>, vector<512x128xf32>, vector<512x128xf32>, vector<512x128xf32>, vector<512x128xf32>, vector<512x128xf32>, vector<512x128xf32>, vector<512x128xf32>, vector<512x128xf32> -> vector<8192x128xf32>
    %get3A_53 = arith.constant 0 : index
    %get3A_54 = arith.constant 0 : index
    %get3A_55 = vector.load %arg7[%get3A_53, %get3A_54] : memref<128x64xf32, #tpu.memory_space<vmem>>, vector<128x64xf32>
    %dot_general3A = arith.constant dense<0.000000e+00> : vector<8192x64xf32>
    %dot_general3A_56 = tpu.matmul %concatenate3A, %get3A_55, %dot_general3A {dimension_numbers = #tpu.dot_dimension_numbers<[1], [0], [0], [1], [0, 0, 1, 1], [], []>, transpose_lhs_hint = false} : vector<8192x128xf32>, vector<128x64xf32>, vector<8192x64xf32> -> vector<8192x64xf32>
    %get3A_57 = arith.constant 0 : index
    %get3A_58 = arith.constant 0 : index
    %get3A_59 = vector.load %arg8[%get3A_57, %get3A_58] : memref<128x64xf32, #tpu.memory_space<vmem>>, vector<128x64xf32>
    %dot_general3A_60 = arith.constant dense<0.000000e+00> : vector<8192x64xf32>
    %dot_general3A_61 = tpu.matmul %concatenate3A, %get3A_59, %dot_general3A_60 {dimension_numbers = #tpu.dot_dimension_numbers<[1], [0], [0], [1], [0, 0, 1, 1], [], []>, transpose_lhs_hint = false} : vector<8192x128xf32>, vector<128x64xf32>, vector<8192x64xf32> -> vector<8192x64xf32>
    %get3A_62 = arith.constant 0 : index
    %get3A_63 = arith.constant 0 : index
    %get3A_64 = vector.load %arg9[%get3A_62, %get3A_63] : memref<128x64xf32, #tpu.memory_space<vmem>>, vector<128x64xf32>
    %dot_general3A_65 = arith.constant dense<0.000000e+00> : vector<8192x64xf32>
    %dot_general3A_66 = tpu.matmul %concatenate3A, %get3A_64, %dot_general3A_65 {dimension_numbers = #tpu.dot_dimension_numbers<[1], [0], [0], [1], [0, 0, 1, 1], [], []>, transpose_lhs_hint = false} : vector<8192x128xf32>, vector<128x64xf32>, vector<8192x64xf32> -> vector<8192x64xf32>
    %get3A_67 = arith.constant 0 : index
    %get3A_68 = arith.constant 0 : index
    %get3A_69 = vector.load %arg10[%get3A_67, %get3A_68] : memref<8x64xf32, #tpu.memory_space<vmem>>, vector<8x64xf32>
    %dot_general3A_70 = arith.constant dense<0.000000e+00> : vector<512x64xf32>
    %dot_general3A_71 = tpu.matmul %get3A_9, %get3A_69, %dot_general3A_70 {dimension_numbers = #tpu.dot_dimension_numbers<[0], [0], [1], [1], [0, 1, 1, 1], [], []>, transpose_lhs_hint = false} : vector<8x512xf32>, vector<8x64xf32>, vector<512x64xf32> -> vector<512x64xf32>
    %sub3A = arith.subf %get3A_9, %get3A_14 : vector<8x512xf32>
    %get3A_72 = arith.constant 0 : index
    %get3A_73 = arith.constant 0 : index
    %get3A_74 = vector.load %arg10[%get3A_72, %get3A_73] : memref<8x64xf32, #tpu.memory_space<vmem>>, vector<8x64xf32>
    %dot_general3A_75 = arith.constant dense<0.000000e+00> : vector<512x64xf32>
    %dot_general3A_76 = tpu.matmul %sub3A, %get3A_74, %dot_general3A_75 {dimension_numbers = #tpu.dot_dimension_numbers<[0], [0], [1], [1], [0, 1, 1, 1], [], []>, transpose_lhs_hint = false} : vector<8x512xf32>, vector<8x64xf32>, vector<512x64xf32> -> vector<512x64xf32>
    %get3A_77 = arith.constant 0 : index
    %get3A_78 = arith.constant 0 : index
    %get3A_79 = vector.load %arg11[%get3A_77, %get3A_78] : memref<1x64xf32, #tpu.memory_space<vmem>>, vector<1x64xf32>
    %get3A_80 = arith.constant 0 : index
    %get3A_81 = arith.constant 0 : index
    %get3A_82 = vector.load %arg13[%get3A_80, %get3A_81] : memref<1x64xf32, #tpu.memory_space<vmem>>, vector<1x64xf32>
    %concatenate3A_83 = tpu.concatenate %dot_general3A_71, %dot_general3A_71, %dot_general3A_71, %dot_general3A_71, %dot_general3A_71, %dot_general3A_71, %dot_general3A_71, %dot_general3A_71, %dot_general3A_71, %dot_general3A_71, %dot_general3A_71, %dot_general3A_71, %dot_general3A_71, %dot_general3A_71, %dot_general3A_71, %dot_general3A_71 in 0 : vector<512x64xf32>, vector<512x64xf32>, vector<512x64xf32>, vector<512x64xf32>, vector<512x64xf32>, vector<512x64xf32>, vector<512x64xf32>, vector<512x64xf32>, vector<512x64xf32>, vector<512x64xf32>, vector<512x64xf32>, vector<512x64xf32>, vector<512x64xf32>, vector<512x64xf32>, vector<512x64xf32>, vector<512x64xf32> -> vector<8192x64xf32>
    %sub3A_84 = arith.subf %concatenate3A_83, %dot_general3A_66 : vector<8192x64xf32>
    %concatenate3A_85 = tpu.concatenate %sub3A_84, %dot_general3A_76 in 0 : vector<8192x64xf32>, vector<512x64xf32> -> vector<8704x64xf32>
    %add3A = vector.broadcast %get3A_79 : vector<1x64xf32> to vector<8704x64xf32>
    %add3A_86 = arith.addf %concatenate3A_85, %add3A : vector<8704x64xf32>
    %max3A = arith.constant 0.000000e+00 : f32
    %max3A_87 = vector.broadcast %max3A : f32 to vector<8704x64xf32>
    %max3A_88 = arith.maximumf %add3A_86, %max3A_87 : vector<8704x64xf32>
    %get3A_89 = arith.constant 0 : index
    %get3A_90 = arith.constant 0 : index
    %get3A_91 = vector.load %arg12[%get3A_89, %get3A_90] : memref<64x64xf32, #tpu.memory_space<vmem>>, vector<64x64xf32>
    %dot_general3A_92 = arith.constant dense<0.000000e+00> : vector<8704x64xf32>
    %dot_general3A_93 = tpu.matmul %max3A_88, %get3A_91, %dot_general3A_92 {dimension_numbers = #tpu.dot_dimension_numbers<[1], [0], [0], [1], [0, 0, 1, 1], [], []>, transpose_lhs_hint = false} : vector<8704x64xf32>, vector<64x64xf32>, vector<8704x64xf32> -> vector<8704x64xf32>
    %add3A_94 = vector.broadcast %get3A_82 : vector<1x64xf32> to vector<8704x64xf32>
    %add3A_95 = arith.addf %dot_general3A_93, %add3A_94 : vector<8704x64xf32>
    %get3A_96 = arith.constant 0 : index
    %get3A_97 = arith.constant 0 : index
    %get3A_98 = vector.load %arg18[%get3A_96, %get3A_97] : memref<64x64xf32, #tpu.memory_space<vmem>>, vector<64x64xf32>
    %dot_general3A_99 = arith.constant dense<0.000000e+00> : vector<512x64xf32>
    %dot_general3A_100 = tpu.matmul %get3A_19, %get3A_98, %dot_general3A_99 {dimension_numbers = #tpu.dot_dimension_numbers<[1], [0], [0], [1], [0, 0, 1, 1], [], []>, transpose_lhs_hint = false} : vector<512x64xf32>, vector<64x64xf32>, vector<512x64xf32> -> vector<512x64xf32>
    %get3A_101 = arith.constant 0 : index
    %get3A_102 = arith.constant 0 : index
    %get3A_103 = vector.load %arg19[%get3A_101, %get3A_102] : memref<64x64xf32, #tpu.memory_space<vmem>>, vector<64x64xf32>
    %dot_general3A_104 = arith.constant dense<0.000000e+00> : vector<512x64xf32>
    %dot_general3A_105 = tpu.matmul %get3A_19, %get3A_103, %dot_general3A_104 {dimension_numbers = #tpu.dot_dimension_numbers<[1], [0], [0], [1], [0, 0, 1, 1], [], []>, transpose_lhs_hint = false} : vector<512x64xf32>, vector<64x64xf32>, vector<512x64xf32> -> vector<512x64xf32>
    %get3A_106 = arith.constant 0 : index
    %get3A_107 = arith.constant 0 : index
    %get3A_108 = vector.load %arg20[%get3A_106, %get3A_107] : memref<64x64xf32, #tpu.memory_space<vmem>>, vector<64x64xf32>
    %dot_general3A_109 = arith.constant dense<0.000000e+00> : vector<1x64xf32>
    %dot_general3A_110 = tpu.matmul %get3A_22, %get3A_108, %dot_general3A_109 {dimension_numbers = #tpu.dot_dimension_numbers<[1], [0], [0], [1], [0, 0, 1, 1], [], []>, transpose_lhs_hint = false} : vector<1x64xf32>, vector<64x64xf32>, vector<1x64xf32> -> vector<1x64xf32>
    %get3A_111 = arith.constant 0 : index
    %get3A_112 = arith.constant 0 : index
    %get3A_113 = vector.load %arg21[%get3A_111, %get3A_112] : memref<64x64xf32, #tpu.memory_space<vmem>>, vector<64x64xf32>
    %dot_general3A_114 = arith.constant dense<0.000000e+00> : vector<1x64xf32>
    %dot_general3A_115 = tpu.matmul %get3A_22, %get3A_113, %dot_general3A_114 {dimension_numbers = #tpu.dot_dimension_numbers<[1], [0], [0], [1], [0, 0, 1, 1], [], []>, transpose_lhs_hint = false} : vector<1x64xf32>, vector<64x64xf32>, vector<1x64xf32> -> vector<1x64xf32>
    %get3A_116 = arith.constant 0 : index
    %get3A_117 = arith.constant 0 : index
    %get3A_118 = vector.load %arg22[%get3A_116, %get3A_117] : memref<64x64xf32, #tpu.memory_space<vmem>>, vector<64x64xf32>
    %dot_general3A_119 = arith.constant dense<0.000000e+00> : vector<1x64xf32>
    %dot_general3A_120 = tpu.matmul %get3A_22, %get3A_118, %dot_general3A_119 {dimension_numbers = #tpu.dot_dimension_numbers<[1], [0], [0], [1], [0, 0, 1, 1], [], []>, transpose_lhs_hint = false} : vector<1x64xf32>, vector<64x64xf32>, vector<1x64xf32> -> vector<1x64xf32>
    %sub3A_121 = vector.broadcast %dot_general3A_110 : vector<1x64xf32> to vector<8192x64xf32>
    %sub3A_122 = arith.subf %sub3A_121, %dot_general3A_56 : vector<8192x64xf32>
    %slice3A_123 = vector.extract_strided_slice %add3A_95 {offsets = [0, 0], sizes = [8192, 64], strides = [1, 1]} : vector<8704x64xf32> to vector<8192x64xf32>
    %add3A_124 = arith.addf %sub3A_122, %slice3A_123 : vector<8192x64xf32>
    %sub3A_125 = vector.broadcast %dot_general3A_110 : vector<1x64xf32> to vector<512x64xf32>
    %sub3A_126 = arith.subf %sub3A_125, %dot_general3A_100 : vector<512x64xf32>
    %slice3A_127 = vector.extract_strided_slice %add3A_95 {offsets = [8192, 0], sizes = [512, 64], strides = [1, 1]} : vector<8704x64xf32> to vector<512x64xf32>
    %add3A_128 = arith.addf %sub3A_126, %slice3A_127 : vector<512x64xf32>
    %sub3A_129 = arith.subf %dot_general3A_110, %dot_general3A_115 : vector<1x64xf32>
    %broadcast_in_dim3A = vector.shape_cast %sub3A_129 : vector<1x64xf32> to vector<1x64xf32>
    %broadcast_in_dim3A_130 = vector.broadcast %broadcast_in_dim3A : vector<1x64xf32> to vector<512x64xf32>
    %concatenate3A_131 = tpu.concatenate %add3A_124, %add3A_128, %broadcast_in_dim3A_130 in 0 : vector<8192x64xf32>, vector<512x64xf32>, vector<512x64xf32> -> vector<9216x64xf32>
    %get3A_132 = arith.constant 0 : index
    %get3A_133 = arith.constant 0 : index
    %get3A_134 = vector.load %arg15[%get3A_132, %get3A_133] : memref<1x64xf32, #tpu.memory_space<vmem>>, vector<1x64xf32>
    %get3A_135 = arith.constant 0 : index
    %get3A_136 = arith.constant 0 : index
    %get3A_137 = vector.load %arg17[%get3A_135, %get3A_136] : memref<1x64xf32, #tpu.memory_space<vmem>>, vector<1x64xf32>
    %get3A_138 = arith.constant 0 : index
    %get3A_139 = arith.constant 0 : index
    %get3A_140 = vector.load %arg14[%get3A_138, %get3A_139] : memref<64x64xf32, #tpu.memory_space<vmem>>, vector<64x64xf32>
    %dot_general3A_141 = arith.constant dense<0.000000e+00> : vector<9216x64xf32>
    %dot_general3A_142 = tpu.matmul %concatenate3A_131, %get3A_140, %dot_general3A_141 {dimension_numbers = #tpu.dot_dimension_numbers<[1], [0], [0], [1], [0, 0, 1, 1], [], []>, transpose_lhs_hint = false} : vector<9216x64xf32>, vector<64x64xf32>, vector<9216x64xf32> -> vector<9216x64xf32>
    %add3A_143 = vector.broadcast %get3A_134 : vector<1x64xf32> to vector<9216x64xf32>
    %add3A_144 = arith.addf %dot_general3A_142, %add3A_143 : vector<9216x64xf32>
    %max3A_145 = arith.constant 0.000000e+00 : f32
    %max3A_146 = vector.broadcast %max3A_145 : f32 to vector<9216x64xf32>
    %max3A_147 = arith.maximumf %add3A_144, %max3A_146 : vector<9216x64xf32>
    %get3A_148 = arith.constant 0 : index
    %get3A_149 = arith.constant 0 : index
    %get3A_150 = vector.load %arg16[%get3A_148, %get3A_149] : memref<64x64xf32, #tpu.memory_space<vmem>>, vector<64x64xf32>
    %dot_general3A_151 = arith.constant dense<0.000000e+00> : vector<9216x64xf32>
    %dot_general3A_152 = tpu.matmul %max3A_147, %get3A_150, %dot_general3A_151 {dimension_numbers = #tpu.dot_dimension_numbers<[1], [0], [0], [1], [0, 0, 1, 1], [], []>, transpose_lhs_hint = false} : vector<9216x64xf32>, vector<64x64xf32>, vector<9216x64xf32> -> vector<9216x64xf32>
    %add3A_153 = vector.broadcast %get3A_137 : vector<1x64xf32> to vector<9216x64xf32>
    %add3A_154 = arith.addf %dot_general3A_152, %add3A_153 : vector<9216x64xf32>
    %slice3A_155 = vector.extract_strided_slice %add3A_154 {offsets = [0, 0], sizes = [512, 64], strides = [1, 1]} : vector<9216x64xf32> to vector<512x64xf32>
    %slice3A_156 = vector.extract_strided_slice %add3A_154 {offsets = [512, 0], sizes = [512, 64], strides = [1, 1]} : vector<9216x64xf32> to vector<512x64xf32>
    %max3A_157 = arith.maximumf %slice3A_155, %slice3A_156 : vector<512x64xf32>
    %slice3A_158 = vector.extract_strided_slice %add3A_154 {offsets = [1024, 0], sizes = [512, 64], strides = [1, 1]} : vector<9216x64xf32> to vector<512x64xf32>
    %max3A_159 = arith.maximumf %max3A_157, %slice3A_158 : vector<512x64xf32>
    %slice3A_160 = vector.extract_strided_slice %add3A_154 {offsets = [1536, 0], sizes = [512, 64], strides = [1, 1]} : vector<9216x64xf32> to vector<512x64xf32>
    %max3A_161 = arith.maximumf %max3A_159, %slice3A_160 : vector<512x64xf32>
    %slice3A_162 = vector.extract_strided_slice %add3A_154 {offsets = [2048, 0], sizes = [512, 64], strides = [1, 1]} : vector<9216x64xf32> to vector<512x64xf32>
    %max3A_163 = arith.maximumf %max3A_161, %slice3A_162 : vector<512x64xf32>
    %slice3A_164 = vector.extract_strided_slice %add3A_154 {offsets = [2560, 0], sizes = [512, 64], strides = [1, 1]} : vector<9216x64xf32> to vector<512x64xf32>
    %max3A_165 = arith.maximumf %max3A_163, %slice3A_164 : vector<512x64xf32>
    %slice3A_166 = vector.extract_strided_slice %add3A_154 {offsets = [3072, 0], sizes = [512, 64], strides = [1, 1]} : vector<9216x64xf32> to vector<512x64xf32>
    %max3A_167 = arith.maximumf %max3A_165, %slice3A_166 : vector<512x64xf32>
    %slice3A_168 = vector.extract_strided_slice %add3A_154 {offsets = [3584, 0], sizes = [512, 64], strides = [1, 1]} : vector<9216x64xf32> to vector<512x64xf32>
    %max3A_169 = arith.maximumf %max3A_167, %slice3A_168 : vector<512x64xf32>
    %slice3A_170 = vector.extract_strided_slice %add3A_154 {offsets = [4096, 0], sizes = [512, 64], strides = [1, 1]} : vector<9216x64xf32> to vector<512x64xf32>
    %max3A_171 = arith.maximumf %max3A_169, %slice3A_170 : vector<512x64xf32>
    %slice3A_172 = vector.extract_strided_slice %add3A_154 {offsets = [4608, 0], sizes = [512, 64], strides = [1, 1]} : vector<9216x64xf32> to vector<512x64xf32>
    %max3A_173 = arith.maximumf %max3A_171, %slice3A_172 : vector<512x64xf32>
    %slice3A_174 = vector.extract_strided_slice %add3A_154 {offsets = [5120, 0], sizes = [512, 64], strides = [1, 1]} : vector<9216x64xf32> to vector<512x64xf32>
    %max3A_175 = arith.maximumf %max3A_173, %slice3A_174 : vector<512x64xf32>
    %slice3A_176 = vector.extract_strided_slice %add3A_154 {offsets = [5632, 0], sizes = [512, 64], strides = [1, 1]} : vector<9216x64xf32> to vector<512x64xf32>
    %max3A_177 = arith.maximumf %max3A_175, %slice3A_176 : vector<512x64xf32>
    %slice3A_178 = vector.extract_strided_slice %add3A_154 {offsets = [6144, 0], sizes = [512, 64], strides = [1, 1]} : vector<9216x64xf32> to vector<512x64xf32>
    %max3A_179 = arith.maximumf %max3A_177, %slice3A_178 : vector<512x64xf32>
    %slice3A_180 = vector.extract_strided_slice %add3A_154 {offsets = [6656, 0], sizes = [512, 64], strides = [1, 1]} : vector<9216x64xf32> to vector<512x64xf32>
    %max3A_181 = arith.maximumf %max3A_179, %slice3A_180 : vector<512x64xf32>
    %slice3A_182 = vector.extract_strided_slice %add3A_154 {offsets = [7168, 0], sizes = [512, 64], strides = [1, 1]} : vector<9216x64xf32> to vector<512x64xf32>
    %max3A_183 = arith.maximumf %max3A_181, %slice3A_182 : vector<512x64xf32>
    %slice3A_184 = vector.extract_strided_slice %add3A_154 {offsets = [7680, 0], sizes = [512, 64], strides = [1, 1]} : vector<9216x64xf32> to vector<512x64xf32>
    %max3A_185 = arith.maximumf %max3A_183, %slice3A_184 : vector<512x64xf32>
    %slice3A_186 = vector.extract_strided_slice %add3A_154 {offsets = [8192, 0], sizes = [512, 64], strides = [1, 1]} : vector<9216x64xf32> to vector<512x64xf32>
    %max3A_187 = arith.maximumf %max3A_185, %slice3A_186 : vector<512x64xf32>
    %slice3A_188 = vector.extract_strided_slice %add3A_154 {offsets = [8704, 0], sizes = [512, 64], strides = [1, 1]} : vector<9216x64xf32> to vector<512x64xf32>
    %max3A_189 = arith.maximumf %max3A_187, %slice3A_188 : vector<512x64xf32>
    %slice3A_190 = vector.extract_strided_slice %add3A_95 {offsets = [0, 0], sizes = [8192, 64], strides = [1, 1]} : vector<8704x64xf32> to vector<8192x64xf32>
    %add3A_191 = arith.addf %dot_general3A_61, %slice3A_190 : vector<8192x64xf32>
    %broadcast_in_dim3A_192 = arith.constant 0.000000e+00 : f32
    %broadcast_in_dim3A_193 = vector.broadcast %broadcast_in_dim3A_192 : f32 to vector<512x64xf32>
    %broadcast_in_dim3A_194 = arith.constant 0.000000e+00 : f32
    %broadcast_in_dim3A_195 = vector.broadcast %broadcast_in_dim3A_194 : f32 to vector<512x64xf32>
    %slice3A_196 = vector.extract_strided_slice %add3A_154 {offsets = [0, 0], sizes = [512, 64], strides = [1, 1]} : vector<9216x64xf32> to vector<512x64xf32>
    %sub3A_197 = arith.subf %slice3A_196, %max3A_189 : vector<512x64xf32>
    %exp3A = math.exp %sub3A_197 : vector<512x64xf32>
    %add3A_198 = arith.addf %broadcast_in_dim3A_193, %exp3A : vector<512x64xf32>
    %slice3A_199 = vector.extract_strided_slice %add3A_191 {offsets = [0, 0], sizes = [512, 64], strides = [1, 1]} : vector<8192x64xf32> to vector<512x64xf32>
    %mul3A = arith.mulf %exp3A, %slice3A_199 : vector<512x64xf32>
    %add3A_200 = arith.addf %broadcast_in_dim3A_195, %mul3A : vector<512x64xf32>
    %slice3A_201 = vector.extract_strided_slice %add3A_154 {offsets = [512, 0], sizes = [512, 64], strides = [1, 1]} : vector<9216x64xf32> to vector<512x64xf32>
    %sub3A_202 = arith.subf %slice3A_201, %max3A_189 : vector<512x64xf32>
    %exp3A_203 = math.exp %sub3A_202 : vector<512x64xf32>
    %add3A_204 = arith.addf %add3A_198, %exp3A_203 : vector<512x64xf32>
    %slice3A_205 = vector.extract_strided_slice %add3A_191 {offsets = [512, 0], sizes = [512, 64], strides = [1, 1]} : vector<8192x64xf32> to vector<512x64xf32>
    %mul3A_206 = arith.mulf %exp3A_203, %slice3A_205 : vector<512x64xf32>
    %add3A_207 = arith.addf %add3A_200, %mul3A_206 : vector<512x64xf32>
    %slice3A_208 = vector.extract_strided_slice %add3A_154 {offsets = [1024, 0], sizes = [512, 64], strides = [1, 1]} : vector<9216x64xf32> to vector<512x64xf32>
    %sub3A_209 = arith.subf %slice3A_208, %max3A_189 : vector<512x64xf32>
    %exp3A_210 = math.exp %sub3A_209 : vector<512x64xf32>
    %add3A_211 = arith.addf %add3A_204, %exp3A_210 : vector<512x64xf32>
    %slice3A_212 = vector.extract_strided_slice %add3A_191 {offsets = [1024, 0], sizes = [512, 64], strides = [1, 1]} : vector<8192x64xf32> to vector<512x64xf32>
    %mul3A_213 = arith.mulf %exp3A_210, %slice3A_212 : vector<512x64xf32>
    %add3A_214 = arith.addf %add3A_207, %mul3A_213 : vector<512x64xf32>
    %slice3A_215 = vector.extract_strided_slice %add3A_154 {offsets = [1536, 0], sizes = [512, 64], strides = [1, 1]} : vector<9216x64xf32> to vector<512x64xf32>
    %sub3A_216 = arith.subf %slice3A_215, %max3A_189 : vector<512x64xf32>
    %exp3A_217 = math.exp %sub3A_216 : vector<512x64xf32>
    %add3A_218 = arith.addf %add3A_211, %exp3A_217 : vector<512x64xf32>
    %slice3A_219 = vector.extract_strided_slice %add3A_191 {offsets = [1536, 0], sizes = [512, 64], strides = [1, 1]} : vector<8192x64xf32> to vector<512x64xf32>
    %mul3A_220 = arith.mulf %exp3A_217, %slice3A_219 : vector<512x64xf32>
    %add3A_221 = arith.addf %add3A_214, %mul3A_220 : vector<512x64xf32>
    %slice3A_222 = vector.extract_strided_slice %add3A_154 {offsets = [2048, 0], sizes = [512, 64], strides = [1, 1]} : vector<9216x64xf32> to vector<512x64xf32>
    %sub3A_223 = arith.subf %slice3A_222, %max3A_189 : vector<512x64xf32>
    %exp3A_224 = math.exp %sub3A_223 : vector<512x64xf32>
    %add3A_225 = arith.addf %add3A_218, %exp3A_224 : vector<512x64xf32>
    %slice3A_226 = vector.extract_strided_slice %add3A_191 {offsets = [2048, 0], sizes = [512, 64], strides = [1, 1]} : vector<8192x64xf32> to vector<512x64xf32>
    %mul3A_227 = arith.mulf %exp3A_224, %slice3A_226 : vector<512x64xf32>
    %add3A_228 = arith.addf %add3A_221, %mul3A_227 : vector<512x64xf32>
    %slice3A_229 = vector.extract_strided_slice %add3A_154 {offsets = [2560, 0], sizes = [512, 64], strides = [1, 1]} : vector<9216x64xf32> to vector<512x64xf32>
    %sub3A_230 = arith.subf %slice3A_229, %max3A_189 : vector<512x64xf32>
    %exp3A_231 = math.exp %sub3A_230 : vector<512x64xf32>
    %add3A_232 = arith.addf %add3A_225, %exp3A_231 : vector<512x64xf32>
    %slice3A_233 = vector.extract_strided_slice %add3A_191 {offsets = [2560, 0], sizes = [512, 64], strides = [1, 1]} : vector<8192x64xf32> to vector<512x64xf32>
    %mul3A_234 = arith.mulf %exp3A_231, %slice3A_233 : vector<512x64xf32>
    %add3A_235 = arith.addf %add3A_228, %mul3A_234 : vector<512x64xf32>
    %slice3A_236 = vector.extract_strided_slice %add3A_154 {offsets = [3072, 0], sizes = [512, 64], strides = [1, 1]} : vector<9216x64xf32> to vector<512x64xf32>
    %sub3A_237 = arith.subf %slice3A_236, %max3A_189 : vector<512x64xf32>
    %exp3A_238 = math.exp %sub3A_237 : vector<512x64xf32>
    %add3A_239 = arith.addf %add3A_232, %exp3A_238 : vector<512x64xf32>
    %slice3A_240 = vector.extract_strided_slice %add3A_191 {offsets = [3072, 0], sizes = [512, 64], strides = [1, 1]} : vector<8192x64xf32> to vector<512x64xf32>
    %mul3A_241 = arith.mulf %exp3A_238, %slice3A_240 : vector<512x64xf32>
    %add3A_242 = arith.addf %add3A_235, %mul3A_241 : vector<512x64xf32>
    %slice3A_243 = vector.extract_strided_slice %add3A_154 {offsets = [3584, 0], sizes = [512, 64], strides = [1, 1]} : vector<9216x64xf32> to vector<512x64xf32>
    %sub3A_244 = arith.subf %slice3A_243, %max3A_189 : vector<512x64xf32>
    %exp3A_245 = math.exp %sub3A_244 : vector<512x64xf32>
    %add3A_246 = arith.addf %add3A_239, %exp3A_245 : vector<512x64xf32>
    %slice3A_247 = vector.extract_strided_slice %add3A_191 {offsets = [3584, 0], sizes = [512, 64], strides = [1, 1]} : vector<8192x64xf32> to vector<512x64xf32>
    %mul3A_248 = arith.mulf %exp3A_245, %slice3A_247 : vector<512x64xf32>
    %add3A_249 = arith.addf %add3A_242, %mul3A_248 : vector<512x64xf32>
    %slice3A_250 = vector.extract_strided_slice %add3A_154 {offsets = [4096, 0], sizes = [512, 64], strides = [1, 1]} : vector<9216x64xf32> to vector<512x64xf32>
    %sub3A_251 = arith.subf %slice3A_250, %max3A_189 : vector<512x64xf32>
    %exp3A_252 = math.exp %sub3A_251 : vector<512x64xf32>
    %add3A_253 = arith.addf %add3A_246, %exp3A_252 : vector<512x64xf32>
    %slice3A_254 = vector.extract_strided_slice %add3A_191 {offsets = [4096, 0], sizes = [512, 64], strides = [1, 1]} : vector<8192x64xf32> to vector<512x64xf32>
    %mul3A_255 = arith.mulf %exp3A_252, %slice3A_254 : vector<512x64xf32>
    %add3A_256 = arith.addf %add3A_249, %mul3A_255 : vector<512x64xf32>
    %slice3A_257 = vector.extract_strided_slice %add3A_154 {offsets = [4608, 0], sizes = [512, 64], strides = [1, 1]} : vector<9216x64xf32> to vector<512x64xf32>
    %sub3A_258 = arith.subf %slice3A_257, %max3A_189 : vector<512x64xf32>
    %exp3A_259 = math.exp %sub3A_258 : vector<512x64xf32>
    %add3A_260 = arith.addf %add3A_253, %exp3A_259 : vector<512x64xf32>
    %slice3A_261 = vector.extract_strided_slice %add3A_191 {offsets = [4608, 0], sizes = [512, 64], strides = [1, 1]} : vector<8192x64xf32> to vector<512x64xf32>
    %mul3A_262 = arith.mulf %exp3A_259, %slice3A_261 : vector<512x64xf32>
    %add3A_263 = arith.addf %add3A_256, %mul3A_262 : vector<512x64xf32>
    %slice3A_264 = vector.extract_strided_slice %add3A_154 {offsets = [5120, 0], sizes = [512, 64], strides = [1, 1]} : vector<9216x64xf32> to vector<512x64xf32>
    %sub3A_265 = arith.subf %slice3A_264, %max3A_189 : vector<512x64xf32>
    %exp3A_266 = math.exp %sub3A_265 : vector<512x64xf32>
    %add3A_267 = arith.addf %add3A_260, %exp3A_266 : vector<512x64xf32>
    %slice3A_268 = vector.extract_strided_slice %add3A_191 {offsets = [5120, 0], sizes = [512, 64], strides = [1, 1]} : vector<8192x64xf32> to vector<512x64xf32>
    %mul3A_269 = arith.mulf %exp3A_266, %slice3A_268 : vector<512x64xf32>
    %add3A_270 = arith.addf %add3A_263, %mul3A_269 : vector<512x64xf32>
    %slice3A_271 = vector.extract_strided_slice %add3A_154 {offsets = [5632, 0], sizes = [512, 64], strides = [1, 1]} : vector<9216x64xf32> to vector<512x64xf32>
    %sub3A_272 = arith.subf %slice3A_271, %max3A_189 : vector<512x64xf32>
    %exp3A_273 = math.exp %sub3A_272 : vector<512x64xf32>
    %add3A_274 = arith.addf %add3A_267, %exp3A_273 : vector<512x64xf32>
    %slice3A_275 = vector.extract_strided_slice %add3A_191 {offsets = [5632, 0], sizes = [512, 64], strides = [1, 1]} : vector<8192x64xf32> to vector<512x64xf32>
    %mul3A_276 = arith.mulf %exp3A_273, %slice3A_275 : vector<512x64xf32>
    %add3A_277 = arith.addf %add3A_270, %mul3A_276 : vector<512x64xf32>
    %slice3A_278 = vector.extract_strided_slice %add3A_154 {offsets = [6144, 0], sizes = [512, 64], strides = [1, 1]} : vector<9216x64xf32> to vector<512x64xf32>
    %sub3A_279 = arith.subf %slice3A_278, %max3A_189 : vector<512x64xf32>
    %exp3A_280 = math.exp %sub3A_279 : vector<512x64xf32>
    %add3A_281 = arith.addf %add3A_274, %exp3A_280 : vector<512x64xf32>
    %slice3A_282 = vector.extract_strided_slice %add3A_191 {offsets = [6144, 0], sizes = [512, 64], strides = [1, 1]} : vector<8192x64xf32> to vector<512x64xf32>
    %mul3A_283 = arith.mulf %exp3A_280, %slice3A_282 : vector<512x64xf32>
    %add3A_284 = arith.addf %add3A_277, %mul3A_283 : vector<512x64xf32>
    %slice3A_285 = vector.extract_strided_slice %add3A_154 {offsets = [6656, 0], sizes = [512, 64], strides = [1, 1]} : vector<9216x64xf32> to vector<512x64xf32>
    %sub3A_286 = arith.subf %slice3A_285, %max3A_189 : vector<512x64xf32>
    %exp3A_287 = math.exp %sub3A_286 : vector<512x64xf32>
    %add3A_288 = arith.addf %add3A_281, %exp3A_287 : vector<512x64xf32>
    %slice3A_289 = vector.extract_strided_slice %add3A_191 {offsets = [6656, 0], sizes = [512, 64], strides = [1, 1]} : vector<8192x64xf32> to vector<512x64xf32>
    %mul3A_290 = arith.mulf %exp3A_287, %slice3A_289 : vector<512x64xf32>
    %add3A_291 = arith.addf %add3A_284, %mul3A_290 : vector<512x64xf32>
    %slice3A_292 = vector.extract_strided_slice %add3A_154 {offsets = [7168, 0], sizes = [512, 64], strides = [1, 1]} : vector<9216x64xf32> to vector<512x64xf32>
    %sub3A_293 = arith.subf %slice3A_292, %max3A_189 : vector<512x64xf32>
    %exp3A_294 = math.exp %sub3A_293 : vector<512x64xf32>
    %add3A_295 = arith.addf %add3A_288, %exp3A_294 : vector<512x64xf32>
    %slice3A_296 = vector.extract_strided_slice %add3A_191 {offsets = [7168, 0], sizes = [512, 64], strides = [1, 1]} : vector<8192x64xf32> to vector<512x64xf32>
    %mul3A_297 = arith.mulf %exp3A_294, %slice3A_296 : vector<512x64xf32>
    %add3A_298 = arith.addf %add3A_291, %mul3A_297 : vector<512x64xf32>
    %slice3A_299 = vector.extract_strided_slice %add3A_154 {offsets = [7680, 0], sizes = [512, 64], strides = [1, 1]} : vector<9216x64xf32> to vector<512x64xf32>
    %sub3A_300 = arith.subf %slice3A_299, %max3A_189 : vector<512x64xf32>
    %exp3A_301 = math.exp %sub3A_300 : vector<512x64xf32>
    %add3A_302 = arith.addf %add3A_295, %exp3A_301 : vector<512x64xf32>
    %slice3A_303 = vector.extract_strided_slice %add3A_191 {offsets = [7680, 0], sizes = [512, 64], strides = [1, 1]} : vector<8192x64xf32> to vector<512x64xf32>
    %mul3A_304 = arith.mulf %exp3A_301, %slice3A_303 : vector<512x64xf32>
    %add3A_305 = arith.addf %add3A_298, %mul3A_304 : vector<512x64xf32>
    %slice3A_306 = vector.extract_strided_slice %add3A_154 {offsets = [8192, 0], sizes = [512, 64], strides = [1, 1]} : vector<9216x64xf32> to vector<512x64xf32>
    %sub3A_307 = arith.subf %slice3A_306, %max3A_189 : vector<512x64xf32>
    %exp3A_308 = math.exp %sub3A_307 : vector<512x64xf32>
    %add3A_309 = arith.addf %add3A_302, %exp3A_308 : vector<512x64xf32>
    %slice3A_310 = vector.extract_strided_slice %add3A_95 {offsets = [8192, 0], sizes = [512, 64], strides = [1, 1]} : vector<8704x64xf32> to vector<512x64xf32>
    %add3A_311 = arith.addf %dot_general3A_105, %slice3A_310 : vector<512x64xf32>
    %mul3A_312 = arith.mulf %exp3A_308, %add3A_311 : vector<512x64xf32>
    %add3A_313 = arith.addf %add3A_305, %mul3A_312 : vector<512x64xf32>
    %slice3A_314 = vector.extract_strided_slice %add3A_154 {offsets = [8704, 0], sizes = [512, 64], strides = [1, 1]} : vector<9216x64xf32> to vector<512x64xf32>
    %sub3A_315 = arith.subf %slice3A_314, %max3A_189 : vector<512x64xf32>
    %exp3A_316 = math.exp %sub3A_315 : vector<512x64xf32>
    %add3A_317 = arith.addf %add3A_309, %exp3A_316 : vector<512x64xf32>
    %mul3A_318 = vector.broadcast %dot_general3A_120 : vector<1x64xf32> to vector<512x64xf32>
    %mul3A_319 = arith.mulf %exp3A_316, %mul3A_318 : vector<512x64xf32>
    %add3A_320 = arith.addf %add3A_313, %mul3A_319 : vector<512x64xf32>
    %div3A = arith.divf %add3A_320, %add3A_317 : vector<512x64xf32>
    %swap3A = arith.constant 0 : index
    %swap3A_321 = arith.constant 0 : index
    %swap3A_322 = arith.constant 0 : index
    %swap3A_323 = vector.load %arg23[%swap3A, %swap3A_321, %swap3A_322] : memref<1x512x64xf32, #tpu.memory_space<vmem>>, vector<1x512x64xf32>
    %swap3A_324 = vector.shape_cast %swap3A_323 : vector<1x512x64xf32> to vector<512x64xf32>
    %swap3A_325 = vector.shape_cast %div3A : vector<512x64xf32> to vector<1x512x64xf32>
    tpu.vector_store %arg23[%swap3A, %swap3A_321, %swap3A_322], %swap3A_325 {strides = array<i32>} : memref<1x512x64xf32, #tpu.memory_space<vmem>>, vector<1x512x64xf32>,
    return
  }
  func.func @transform_0(%arg0: i32, %arg1: i32) -> (i32, i32, i32, i32) {
    %c0_i32 = arith.constant 0 : i32
    %c0_i32_0 = arith.constant 0 : i32
    %c0_i32_1 = arith.constant 0 : i32
    return %arg0, %c0_i32, %arg1, %c0_i32_0 : i32, i32, i32, i32
  }
  func.func @transform_1(%arg0: i32, %arg1: i32) -> (i32, i32, i32) {
    %c0_i32 = arith.constant 0 : i32
    %c0_i32_0 = arith.constant 0 : i32
    return %arg0, %c0_i32, %arg1 : i32, i32, i32
  }
  func.func @transform_2(%arg0: i32, %arg1: i32) -> (i32, i32, i32) {
    %c0_i32 = arith.constant 0 : i32
    %c0_i32_0 = arith.constant 0 : i32
    return %arg0, %c0_i32, %arg1 : i32, i32, i32
  }
  func.func @transform_3(%arg0: i32, %arg1: i32) -> (i32, i32, i32) {
    %c0_i32 = arith.constant 0 : i32
    %c0_i32_0 = arith.constant 0 : i32
    return %arg0, %arg1, %c0_i32 : i32, i32, i32
  }
  func.func @transform_4(%arg0: i32, %arg1: i32) -> (i32, i32) {
    %c0_i32 = arith.constant 0 : i32
    %c0_i32_0 = arith.constant 0 : i32
    %c0_i32_1 = arith.constant 0 : i32
    return %c0_i32, %c0_i32_0 : i32, i32
  }
  func.func @transform_5(%arg0: i32, %arg1: i32) -> (i32, i32) {
    %c0_i32 = arith.constant 0 : i32
    %c0_i32_0 = arith.constant 0 : i32
    %c0_i32_1 = arith.constant 0 : i32
    return %c0_i32, %c0_i32_0 : i32, i32
  }
  func.func @transform_6(%arg0: i32, %arg1: i32) -> (i32, i32) {
    %c0_i32 = arith.constant 0 : i32
    %c0_i32_0 = arith.constant 0 : i32
    %c0_i32_1 = arith.constant 0 : i32
    return %c0_i32, %c0_i32_0 : i32, i32
  }
  func.func @transform_7(%arg0: i32, %arg1: i32) -> (i32, i32) {
    %c0_i32 = arith.constant 0 : i32
    %c0_i32_0 = arith.constant 0 : i32
    %c0_i32_1 = arith.constant 0 : i32
    return %c0_i32, %c0_i32_0 : i32, i32
  }
  func.func @transform_8(%arg0: i32, %arg1: i32) -> (i32, i32) {
    %c0_i32 = arith.constant 0 : i32
    %c0_i32_0 = arith.constant 0 : i32
    %c0_i32_1 = arith.constant 0 : i32
    return %c0_i32, %c0_i32_0 : i32, i32
  }
  func.func @transform_9(%arg0: i32, %arg1: i32) -> (i32, i32) {
    %c0_i32 = arith.constant 0 : i32
    %c0_i32_0 = arith.constant 0 : i32
    %c0_i32_1 = arith.constant 0 : i32
    return %c0_i32, %c0_i32_0 : i32, i32
  }
  func.func @transform_10(%arg0: i32, %arg1: i32) -> (i32, i32) {
    %c0_i32 = arith.constant 0 : i32
    %c0_i32_0 = arith.constant 0 : i32
    %c0_i32_1 = arith.constant 0 : i32
    return %c0_i32, %c0_i32_0 : i32, i32
  }
  func.func @transform_11(%arg0: i32, %arg1: i32) -> (i32, i32) {
    %c0_i32 = arith.constant 0 : i32
    %c0_i32_0 = arith.constant 0 : i32
    %c0_i32_1 = arith.constant 0 : i32
    return %c0_i32, %c0_i32_0 : i32, i32
  }
  func.func @transform_12(%arg0: i32, %arg1: i32) -> (i32, i32) {
    %c0_i32 = arith.constant 0 : i32
    %c0_i32_0 = arith.constant 0 : i32
    %c0_i32_1 = arith.constant 0 : i32
    return %c0_i32, %c0_i32_0 : i32, i32
  }
  func.func @transform_13(%arg0: i32, %arg1: i32) -> (i32, i32) {
    %c0_i32 = arith.constant 0 : i32
    %c0_i32_0 = arith.constant 0 : i32
    %c0_i32_1 = arith.constant 0 : i32
    return %c0_i32, %c0_i32_0 : i32, i32
  }
  func.func @transform_14(%arg0: i32, %arg1: i32) -> (i32, i32) {
    %c0_i32 = arith.constant 0 : i32
    %c0_i32_0 = arith.constant 0 : i32
    %c0_i32_1 = arith.constant 0 : i32
    return %c0_i32, %c0_i32_0 : i32, i32
  }
  func.func @transform_15(%arg0: i32, %arg1: i32) -> (i32, i32) {
    %c0_i32 = arith.constant 0 : i32
    %c0_i32_0 = arith.constant 0 : i32
    %c0_i32_1 = arith.constant 0 : i32
    return %c0_i32, %c0_i32_0 : i32, i32
  }
  func.func @transform_16(%arg0: i32, %arg1: i32) -> (i32, i32) {
    %c0_i32 = arith.constant 0 : i32
    %c0_i32_0 = arith.constant 0 : i32
    %c0_i32_1 = arith.constant 0 : i32
    return %c0_i32, %c0_i32_0 : i32, i32
  }
  func.func @transform_17(%arg0: i32, %arg1: i32) -> (i32, i32) {
    %c0_i32 = arith.constant 0 : i32
    %c0_i32_0 = arith.constant 0 : i32
    %c0_i32_1 = arith.constant 0 : i32
    return %c0_i32, %c0_i32_0 : i32, i32
  }
  func.func @transform_18(%arg0: i32, %arg1: i32) -> (i32, i32) {
    %c0_i32 = arith.constant 0 : i32
    %c0_i32_0 = arith.constant 0 : i32
    %c0_i32_1 = arith.constant 0 : i32
    return %c0_i32, %c0_i32_0 : i32, i32
  }
  func.func @transform_19(%arg0: i32, %arg1: i32) -> (i32, i32) {
    %c0_i32 = arith.constant 0 : i32
    %c0_i32_0 = arith.constant 0 : i32
    %c0_i32_1 = arith.constant 0 : i32
    return %c0_i32, %c0_i32_0 : i32, i32
  }
  func.func @transform_20(%arg0: i32, %arg1: i32) -> (i32, i32) {
    %c0_i32 = arith.constant 0 : i32
    %c0_i32_0 = arith.constant 0 : i32
    %c0_i32_1 = arith.constant 0 : i32
    return %c0_i32, %c0_i32_0 : i32, i32
  }
  func.func @transform_21(%arg0: i32, %arg1: i32) -> (i32, i32, i32) {
    %c0_i32 = arith.constant 0 : i32
    %c0_i32_0 = arith.constant 0 : i32
    return %arg0, %arg1, %c0_i32 : i32, i32, i32
  }
}

</mosaic_0001>

<sc_bundles>
// kernel: kernel.5.cloned.1.call-start
scs
__scs_entry_jumppad:
0x0: {  	(pc) =	sbr.rel $0x88, $3  }
0x1: {  	(tag) =	ssettag $0x0;
	lr =	simm.s32 $0x1  }
0x2: {  	[smem:$0x3F8C] =	sst lr;
	_ =	strace $0xD0000000  }
0x3: {  	_ = 	snop  }
0x4: {  	_ = 	snop  }
0x5: {  	_ = 	snop  }
0x6: {  	_ = 	snop  }
0x7: {  	_ = 	snop  }
__scs_overlays_trampoline_lowered:
0x8: {  	[smem:$0x3F9B] =	sst s0  }
0x9: {  	[smem:$0x3F9C] =	sst s1  }
0xa: {  	[smem:$0x3F9D] =	sst s2  }
0xb: {  	[smem:$0x3F9E] =	sst s3  }
0xc: {  	[smem:$0x3F9F] =	sst s4  }
0xd: {  	[smem:$0x3FA0] =	sst s5  }
0xe: {  	[smem:$0x3FA1] =	sst s6  }
0xf: {  	[smem:$0x3FA2] =	sst s7  }
0x10: {  	[smem:$0x3FA3] =	sst s8  }
0x11: {  	[smem:$0x3FA4] =	sst s9;
	s0 =	simm.s32 @!p0 $0x0  }
0x12: {  	s1 =	sld [smem:$0x3F8A];
	s0 =	simm.s32 @p0 $0x1  }
0x13: {  	[smem:$0x3FA5] =	sst s0;
	s0 =	simm.s32 @!p1 $0x0  }
0x14: {  	s2 =	sld [smem:$0x3F89];
	s0 =	simm.s32 @p1 $0x1  }
0x15: {  	[smem:$0x3FA6] =	sst s0;
	s0 =	simm.s32 @!p2 $0x0  }
0x16: {  	s3 =	sld [smem:$0x3FDB];
	s0 =	simm.s32 @p2 $0x1  }
0x17: {  	s4 =	simm.s32 $0x1BF5;
	[smem:$0x3FA8] =	sst s0  }
0x18: {  	s0 =	sld [smem:$0x3F8B];
	_ =	swait.ge [sflag:s4], $0x0  }
0x19: {  	s7 =	sld [smem:$0x3F8C]  }
0x1a: {  	s8 =	sadd.s32 $0xFFFFE003, lr  }
0x1b: {  	s9 =	sadd.s32 $0xFFFFFEF7, lr;
	s5 =	simm.s32 $0xFFFFFFFF;
	p2 =	slt.u32 s8, $0xFFFFF086  }
0x1c: {  	p1 =	slt.u32 s9, $0xF7A;
	s5 =	simm.s32 @!p2 $0x0  }
0x1d: {  	s5 =	simm.s32 @p1 $0x1;
	p0 =	seq.s32 s7, s2  }
0x1e: {  	s7 =	smul.u32 @!p0 $0xF7A, s2;
	p2 =	seq.s32 @!p0 s5, $0x0  }
0x1f: {  	s9 =	smul.u32 $0xF7A, s1;
	s8 =	simm.s32 @!p0 $0x1BF5;
	p2 =	por !p2, p0  }
0x20: {  	[sflag:s8] =	ssyncset.s32 @!p0 $0xFFFFF086;
	s6 =	sadd.s32 @!p0 s3, s7;
	s7 =	simm.s32 @!p0 $0x108  }
0x21: {  	s3 =	sadd.s32 s3, s9;
	s6 =	sadd.s32 @!p0 $0x88, s6;
	s7 =	simm.s32 @p2 $0x1082  }
0x22: {  	[simem:s7], [sflag:s8] =	dma.local @!p0 [hbm:s6], $0xF7A  }
0x23: {  	s9 =	sor.u32 $0xD0000000, s2;
	s6 =	simm.s32 $0x108;
	_ =	swait.ge @!p0 [sflag:s8], $0x0  }
0x24: {  	s3 =	sadd.s32 $0x88, s3;
	s6 =	simm.s32 @!p1 $0x1082;
	[sflag:s4] =	ssyncset.s32 $0xFFFFF086  }
0x25: {  	[simem:s6], [sflag:s4] =	dma.local [hbm:s3], $0xF7A  }
0x26: {  	[smem:$0x3F8C] =	sst s1;
	(tag) =	ssettag s2;
	_ =	strace s9  }
0x27: {  	s1 =	sld [smem:$0x3F9C]  }
0x28: {  	s2 =	sld [smem:$0x3F9D]  }
0x29: {  	s4 =	sld [smem:$0x3F9F]  }
0x2a: {  	p0 =	seq.s32 s5, $0x0;
	s5 =	sld [smem:$0x3FA0]  }
0x2b: {  	s6 =	sld [smem:$0x3FA1]  }
0x2c: {  	s7 =	sld [smem:$0x3FA2]  }
0x2d: {  	s3 =	simm.s32 $0x108;
	s8 =	sld [smem:$0x3FA3]  }
0x2e: {  	s3 =	simm.s32 @!p0 $0x1082;
	s9 =	sld [smem:$0x3FA4]  }
0x2f: {  	lr =	sadd.s32 s0, s3;
	s0 =	sld [smem:$0x3F9B]  }
0x30: {  	s3 =	sld [smem:$0x3F9E]  }
0x31: {  	[smem:$0x3FA7] =	sst s10  }
0x32: {  	s10 =	sld [smem:$0x3FA5];
	_ =	sdelay $0x3  }
0x33: {  	p0 =	seq.s32 s10, $0x1;
	s10 =	sld [smem:$0x3FA7];
	_ =	sdelay $0x3  }
0x34: {  	[smem:$0x3FA7] =	sst s10  }
0x35: {  	s10 =	sld [smem:$0x3FA6];
	_ =	sdelay $0x3  }
0x36: {  	p1 =	seq.s32 s10, $0x1;
	s10 =	sld [smem:$0x3FA7];
	_ =	sdelay $0x3  }
0x37: {  	[smem:$0x3FA7] =	sst s10  }
0x38: {  	s10 =	sld [smem:$0x3FA8]  }
0x39: {  	_ = 	snop;
	(pc) =	sbr.ind lr, $3  }
0x3a: {  	_ = 	snop  }
0x3b: {  	_ = 	snop  }
0x3c: {  	p2 =	seq.s32 s10, $0x1;
	s10 =	sld [smem:$0x3FA7]  }
0x3d: {  	_ =	shalt  }
0x3e: {  	_ =	shalt  }
0x3f: {  	_ =	shalt  }
0x40: {  	_ =	shalt  }
0x41: {  	_ =	shalt  }
0x42: {  	_ =	shalt  }
0x43: {  	_ =	shalt  }
0x44: {  	_ =	shalt  }
0x45: {  	_ =	shalt  }
0x46: {  	_ =	shalt  }
0x47: {  	_ =	shalt  }
0x48: {  	_ =	shalt  }
0x49: {  	_ =	shalt  }
0x4a: {  	_ =	shalt  }
0x4b: {  	_ =	shalt  }
0x4c: {  	_ =	shalt  }
0x4d: {  	_ =	shalt  }
0x4e: {  	_ =	shalt  }
0x4f: {  	_ =	shalt  }
0x50: {  	_ =	shalt  }
0x51: {  	_ =	shalt  }
0x52: {  	_ =	shalt  }
0x53: {  	_ =	shalt  }
0x54: {  	_ =	shalt  }
0x55: {  	_ =	shalt  }
0x56: {  	_ =	shalt  }
0x57: {  	_ =	shalt  }
0x58: {  	_ =	shalt  }
0x59: {  	_ =	shalt  }
0x5a: {  	_ =	shalt  }
0x5b: {  	_ =	shalt  }
0x5c: {  	_ =	shalt  }
0x5d: {  	_ =	shalt  }
0x5e: {  	_ =	shalt  }
0x5f: {  	_ =	shalt  }
0x60: {  	_ =	shalt  }
0x61: {  	_ =	shalt  }
0x62: {  	_ =	shalt  }
0x63: {  	_ =	shalt  }
0x64: {  	_ =	shalt  }
0x65: {  	_ =	shalt  }
0x66: {  	_ =	shalt  }
0x67: {  	_ =	shalt  }
0x68: {  	_ =	shalt  }
0x69: {  	_ =	shalt  }
0x6a: {  	_ =	shalt  }
0x6b: {  	_ =	shalt  }
0x6c: {  	_ =	shalt  }
0x6d: {  	_ =	shalt  }
0x6e: {  	_ =	shalt  }
0x6f: {  	_ =	shalt  }
0x70: {  	_ =	shalt  }
0x71: {  	_ =	shalt  }
0x72: {  	_ =	shalt  }
0x73: {  	_ =	shalt  }
0x74: {  	_ =	shalt  }
0x75: {  	_ =	shalt  }
0x76: {  	_ =	shalt  }
0x77: {  	_ =	shalt  }
0x78: {  	_ =	shalt  }
0x79: {  	_ =	shalt  }
0x7a: {  	_ =	shalt  }
0x7b: {  	_ =	shalt  }
0x7c: {  	_ =	shalt  }
0x7d: {  	_ =	shalt  }
0x7e: {  	_ =	shalt  }
0x7f: {  	_ =	shalt  }
0x80: {  	_ =	shalt  }
0x81: {  	_ =	shalt  }
0x82: {  	_ =	shalt  }
0x83: {  	_ =	shalt  }
0x84: {  	_ =	shalt  }
0x85: {  	_ =	shalt  }
0x86: {  	_ =	shalt  }
0x87: {  	_ =	shalt  }
.Lfunc_end0:
.L_simem_size_0:
called_computation_lowered:
.L_overlay_start_0:
0x88: {  	s2 =	sld [smem:$0x3FD9]  }
0x89: {  	s3 =	sld [smem:$0x3FFE];
	_ =	sdelay $0x1  }
0x8a: {  	s1 =	srdreg.scid  }
0x8b: {  	s0 =	sand.u32 $0x1, s1  }
0x8c: {  	s17 =	sshll.u32 s0, $0xA;
	s2 =	sadd.s32 s3, s2  }
0x8d: {  	s2 =	sadd.s32 s2, s17  }
0x8e: {  	[smem:$0x3FB3] =	sst s2  }
0x8f: {  	_ = 	snop  }
0x90: {  	s2 =	sld [smem:$0x3FD0];
	(tm) =	ssettm $0x1  }
0x91: {  	s18 =	sld [smem:$0x3FFB];
	_ =	sdelay $0x3  }
0x92: {  	_ =	strace s18  }
0x93: {  	s3 =	sld [smem:$0x3FFC];
	_ =	sdelay $0x3  }
0x94: {  	_ =	strace s3  }
0x95: {  	s3 =	sld [smem:$0x3FFD];
	_ =	sdelay $0x3  }
0x96: {  	_ =	strace s3  }
0x97: {  	_ =	strace $0x8FFFFFFF  }
0x98: {  	s19 =	sld [smem:$0x3FDB];
	_ =	sdelay $0x1  }
0x99: {  	s4 =	simm.s32 $_scs_section_size  }
0x9a: {  	s5 =	simm.s32 $_size__tile_overlayer_lowered;
	s6 =	simm.s32 $_tile_overlayer_lowered  }
0x9b: {  	s22 =	simm.s32 $0x1BFF;
	s21 =	sshll.u32 s6, $0x1;
	s3 =	sadd.s32 s4, s19  }
0x9c: {  	s7 =	simm.s32 $0x0;
	s20 =	sshll.u32 s5, $0x1;
	s5 =	sadd.s32 s21, s3  }
0x9d: {  	[timem:s7], [sflag:s22] =	dma.local [hbm:s5], s20  }
0x9e: {  	_ =	swait.ge [sflag:s22], s20  }
0x9f: {  	s4 =	ssub.s32 $0x0, s20;
	[sflag:s22] =	ssyncset.done $0x0  }
0xa0: {  	[sflag:s22] =	ssyncadd.s32 s4;
	_ =	sdelay $0x1  }
0xa1: {  	s23 =	simm.s32 $0x1B8B  }
0xa2: {  	_ =	swait.ge [sflag:s23], $0x1  }
0xa3: {  	[sflag:s23] =	ssyncset.done $0x0  }
0xa4: {  	s25 =	simm.s32 $0x1B8E;
	s24 =	sld [smem:$0x3FFE];
	[sflag:s23] =	ssyncadd.s32 $0xFFFFFFFF  }
0xa5: {  	s26 =	simm.s32 $execute0_lowered;
	[smem:$0x3FD2] =	sst s25  }
0xa6: {  	s5 =	sshll.u32 s26, $0x1;
	_ =	strace $0x80000046;
	[dreg:$0x1] =	wrdreg $0xFFFFFFFF  }
0xa7: {  	s28 =	simm.s32 $_size_execute0_lowered;
	s3 =	sadd.s32 s3, s5;
	[dreg:$0x0] =	wrdreg $0x0  }
0xa8: {  	s5 =	sshll.u32 s28, $0x1;
	[dreg:$0x2] =	wrdreg s3  }
0xa9: {  	[dreg:$0x3] =	wrdreg s5  }
0xaa: {  	[dreg:$0x4] =	wrdreg $0xC0  }
0xab: {  	_ =	task [dreg:s7], $0x5FFFF  }
0xac: {  	[dreg:$0x1] =	wrdreg $0xFFFFFFFF  }
0xad: {  	[dreg:$0x0] =	wrdreg $0x60  }
0xae: {  	[dreg:$0x2] =	wrdreg s24  }
0xaf: {  	[dreg:$0x3] =	wrdreg s2  }
0xb0: {  	[dreg:$0x4] =	wrdreg $0x9  }
0xb1: {  	_ =	task.clear_ibuf [dreg:s7], $0x5FFFF;
	_ =	strace $0x90000046  }
0xb2: {  	s29 =	simm.s32 $0x9;
	_ =	strace $0x80000048  }
0xb3: {  	_ =	swait.ge [sflag:s29], $0x1  }
0xb4: {  	[sflag:s29] =	ssyncadd.s32 $0xFFFFFFFF  }
0xb5: {  	_ =	strace $0x90000048  }
0xb6: {  	_ =	sfence  }
0xb7: {  	s30 =	sld [smem:$0x0];
	_ =	sdelay $0x2  }
0xb8: {  	s31 =	sshll.u32 s1, $0xD;
	s1 =	sshrl.u32 s1, $0x2  }
0xb9: {  	s3 =	sand.u32 $0x4000, s31;
	s1 =	sadd.s32 s1, s30  }
0xba: {  	s0 =	sor.u32 s3, s0;
	s1 =	sshll.u32 s1, $0x11  }
0xbb: {  	s0 =	sor.u32 s1, s0  }
0xbc: {  	s0 =	sadd.s32 $0x8F2B, s0  }
0xbd: {  	[sflag:s0] =	ssyncadd.remote.s32 $0x1  }
0xbe: {  	_ =	sfence.sel $0xFFFF  }
0xbf: {  	[dreg:$0x0] =	wrdreg $0xFFFFFFFF;
	(pc) =	sbr.abs _section_cstart, $3  }
0xc0: {  	[dreg:$0x1] =	wrdreg $0xFFFFFFFF  }
0xc1: {  	_ =	task.clear_ibuf [dreg:s7], $0x2FFFF;
	_ =	strace $0x9FFFFFFF  }
0xc2: {  	(tm) =	ssettm $0x7FFFFFFF  }
0xc3: {  	_ =	shalt  }
tec
execute0_lowered:
.L_overlay_start_1:
0x0: {  	(tag) =	ssettag $0x1  }
0x1: {  	s1 =	srdreg.scid  }
0x2: {  	s11 =	rddreg [dreg:$0x0];
	s0 =	stileid.u32;
	s25 =	sand.u32 $0x1, s1  }
0x3: {  	s23 =	rddreg [dreg:$0x1];
	s3 =	sshll.u32 s0, $0xC;
	s4 =	sshll.u32 s25, $0xB  }
0x4: {  	s2 =	simm.s32 $0x0;
	s1 =	rddreg [dreg:$0x2];
	s24 =	sor.u32 s4, s3  }
0x5: {  	[smem:$0x7FF] =	sst s2;
	s3 =	sshrl.u32 s24, $0x3  }
0x6: {  	_ =	strace $0x80000047;
	s4 =	simm.s32 $0x3;
	s3 =	sadd.s32 s23, s3  }
0x7: {  	[tilespmem:s2], [sflag:$0x3] =	stream.linear.gather [hbm4b:s3+s2], $0x100, $0x38;
	[tilespmem:$0x10200] =	vst v63  }
0x8: {  	s6 =	simm.s32 $0x100;
	_ =	swait.ge [sflag:s4], $0x100  }
0x9: {  	s7 =	simm.s32 $0x200;
	s14 =	sor.u32 $0x100, s24;
	[sflag:s4] =	ssyncset.done $0x0  }
0xa: {  	s5 =	sadd.s32 $0x2800, s11;
	s8 =	sshrl.u32 s14, $0x3;
	[sflag:s4] =	ssyncadd.s32 $0xFFFFFF00  }
0xb: {  	[tilespmem:s7], [sflag:$0x1] =	stream.indirect.gather [hbm4b:s5+s6], $0x80, s2, s6, $0xb8;
	[tilespmem:$0x10200] =	vst v63  }
0xc: {  	s8 =	sadd.s32 s23, s8  }
0xd: {  	[tilespmem:s6], [sflag:$0x3] =	stream.linear.gather [hbm4b:s8+s2], $0x100, $0x38;
	[tilespmem:$0x10200] =	vst v63  }
0xe: {  	_ =	swait.ge [sflag:s4], $0x100  }
0xf: {  	[sflag:s4] =	ssyncset.done $0x0  }
0x10: {  	s9 =	simm.s32 $0x8200;
	s10 =	simm.s32 $0x1;
	[sflag:s4] =	ssyncadd.s32 $0xFFFFFF00  }
0x11: {  	[tilespmem:s9], [sflag:$0x1] =	stream.indirect.gather [hbm4b:s5+s6], $0x80, s6, s6, $0xb8;
	[tilespmem:$0x10200] =	vst v63  }
0x12: {  	_ =	swait.ge [sflag:s10], $0x8000  }
0x13: {  	s26 =	sadd.s32 $0x50A00, s11;
	s29 =	sshll.u32 s24, $0x4;
	[sflag:s10] =	ssyncset.done $0x0  }
0x14: {  	s11 =	simm.s32 $0x2;
	s12 =	sadd.s32 s26, s29;
	[sflag:s10] =	ssyncadd.s32 $0xFFFF8000  }
0x15: {  	[hbm4b:s12+s2] =	stream.linear.scatter [tilespmem:s7], [sflag:$0x2], $0x8000, $0x38;
	[tilespmem:$0x10200] =	vst v63  }
0x16: {  	s16 =	sor.u32 $0x200, s24;
	_ =	swait.ge [sflag:s11], $0x8000  }
0x17: {  	s13 =	sshrl.u32 s16, $0x3;
	[sflag:s11] =	ssyncset.done $0x0  }
0x18: {  	s13 =	sadd.s32 s23, s13;
	[sflag:s11] =	ssyncadd.s32 $0xFFFF8000  }
0x19: {  	[tilespmem:s2], [sflag:$0x3] =	stream.linear.gather [hbm4b:s13+s2], $0x100, $0x38;
	[tilespmem:$0x10200] =	vst v63  }
0x1a: {  	_ =	swait.ge [sflag:s4], $0x100  }
0x1b: {  	[sflag:s4] =	ssyncset.done $0x0  }
0x1c: {  	[sflag:s4] =	ssyncadd.s32 $0xFFFFFF00  }
0x1d: {  	[tilespmem:s7], [sflag:$0x1] =	stream.indirect.gather [hbm4b:s5+s6], $0x80, s2, s6, $0xb8;
	[tilespmem:$0x10200] =	vst v63  }
0x1e: {  	_ =	swait.ge [sflag:s10], $0x8000  }
0x1f: {  	s14 =	sshll.u32 s14, $0x4;
	[sflag:s10] =	ssyncset.done $0x0  }
0x20: {  	s14 =	sadd.s32 s26, s14;
	[sflag:s10] =	ssyncadd.s32 $0xFFFF8000  }
0x21: {  	[hbm4b:s14+s2] =	stream.linear.scatter [tilespmem:s9], [sflag:$0x2], $0x8000, $0x38;
	[tilespmem:$0x10200] =	vst v63  }
0x22: {  	s18 =	sor.u32 $0x300, s24;
	_ =	swait.ge [sflag:s11], $0x8000  }
0x23: {  	s15 =	sshrl.u32 s18, $0x3;
	[sflag:s11] =	ssyncset.done $0x0  }
0x24: {  	s15 =	sadd.s32 s23, s15;
	[sflag:s11] =	ssyncadd.s32 $0xFFFF8000  }
0x25: {  	[tilespmem:s6], [sflag:$0x3] =	stream.linear.gather [hbm4b:s15+s2], $0x100, $0x38;
	[tilespmem:$0x10200] =	vst v63  }
0x26: {  	_ =	swait.ge [sflag:s4], $0x100  }
0x27: {  	[sflag:s4] =	ssyncset.done $0x0  }
0x28: {  	[sflag:s4] =	ssyncadd.s32 $0xFFFFFF00  }
0x29: {  	[tilespmem:s9], [sflag:$0x1] =	stream.indirect.gather [hbm4b:s5+s6], $0x80, s6, s6, $0xb8;
	[tilespmem:$0x10200] =	vst v63  }
0x2a: {  	_ =	swait.ge [sflag:s10], $0x8000  }
0x2b: {  	s16 =	sshll.u32 s16, $0x4;
	[sflag:s10] =	ssyncset.done $0x0  }
0x2c: {  	s16 =	sadd.s32 s26, s16;
	[sflag:s10] =	ssyncadd.s32 $0xFFFF8000  }
0x2d: {  	[hbm4b:s16+s2] =	stream.linear.scatter [tilespmem:s7], [sflag:$0x2], $0x8000, $0x38;
	[tilespmem:$0x10200] =	vst v63  }
0x2e: {  	s20 =	sor.u32 $0x400, s24;
	_ =	swait.ge [sflag:s11], $0x8000  }
0x2f: {  	s17 =	sshrl.u32 s20, $0x3;
	[sflag:s11] =	ssyncset.done $0x0  }
0x30: {  	s17 =	sadd.s32 s23, s17;
	[sflag:s11] =	ssyncadd.s32 $0xFFFF8000  }
0x31: {  	[tilespmem:s2], [sflag:$0x3] =	stream.linear.gather [hbm4b:s17+s2], $0x100, $0x38;
	[tilespmem:$0x10200] =	vst v63  }
0x32: {  	_ =	swait.ge [sflag:s4], $0x100  }
0x33: {  	[sflag:s4] =	ssyncset.done $0x0  }
0x34: {  	[sflag:s4] =	ssyncadd.s32 $0xFFFFFF00  }
0x35: {  	[tilespmem:s7], [sflag:$0x1] =	stream.indirect.gather [hbm4b:s5+s6], $0x80, s2, s6, $0xb8;
	[tilespmem:$0x10200] =	vst v63  }
0x36: {  	_ =	swait.ge [sflag:s10], $0x8000  }
0x37: {  	s18 =	sshll.u32 s18, $0x4;
	[sflag:s10] =	ssyncset.done $0x0  }
0x38: {  	s18 =	sadd.s32 s26, s18;
	[sflag:s10] =	ssyncadd.s32 $0xFFFF8000  }
0x39: {  	[hbm4b:s18+s2] =	stream.linear.scatter [tilespmem:s9], [sflag:$0x2], $0x8000, $0x38;
	[tilespmem:$0x10200] =	vst v63  }
0x3a: {  	s22 =	sor.u32 $0x500, s24;
	_ =	swait.ge [sflag:s11], $0x8000  }
0x3b: {  	s19 =	sshrl.u32 s22, $0x3;
	[sflag:s11] =	ssyncset.done $0x0  }
0x3c: {  	s19 =	sadd.s32 s23, s19;
	[sflag:s11] =	ssyncadd.s32 $0xFFFF8000  }
0x3d: {  	[tilespmem:s6], [sflag:$0x3] =	stream.linear.gather [hbm4b:s19+s2], $0x100, $0x38;
	[tilespmem:$0x10200] =	vst v63  }
0x3e: {  	_ =	swait.ge [sflag:s4], $0x100  }
0x3f: {  	[sflag:s4] =	ssyncset.done $0x0  }
0x40: {  	[sflag:s4] =	ssyncadd.s32 $0xFFFFFF00  }
0x41: {  	[tilespmem:s9], [sflag:$0x1] =	stream.indirect.gather [hbm4b:s5+s6], $0x80, s6, s6, $0xb8;
	[tilespmem:$0x10200] =	vst v63  }
0x42: {  	_ =	swait.ge [sflag:s10], $0x8000  }
0x43: {  	s20 =	sshll.u32 s20, $0x4;
	[sflag:s10] =	ssyncset.done $0x0  }
0x44: {  	s20 =	sadd.s32 s26, s20;
	[sflag:s10] =	ssyncadd.s32 $0xFFFF8000  }
0x45: {  	[hbm4b:s20+s2] =	stream.linear.scatter [tilespmem:s7], [sflag:$0x2], $0x8000, $0x38;
	[tilespmem:$0x10200] =	vst v63  }
0x46: {  	s28 =	sor.u32 $0x600, s24;
	_ =	swait.ge [sflag:s11], $0x8000  }
0x47: {  	s21 =	sshrl.u32 s28, $0x3;
	[sflag:s11] =	ssyncset.done $0x0  }
0x48: {  	s21 =	sadd.s32 s23, s21;
	[sflag:s11] =	ssyncadd.s32 $0xFFFF8000  }
0x49: {  	[tilespmem:s2], [sflag:$0x3] =	stream.linear.gather [hbm4b:s21+s2], $0x100, $0x38;
	[tilespmem:$0x10200] =	vst v63  }
0x4a: {  	_ =	swait.ge [sflag:s4], $0x100  }
0x4b: {  	[sflag:s4] =	ssyncset.done $0x0  }
0x4c: {  	[sflag:s4] =	ssyncadd.s32 $0xFFFFFF00  }
0x4d: {  	[tilespmem:s7], [sflag:$0x1] =	stream.indirect.gather [hbm4b:s5+s6], $0x80, s2, s6, $0xb8;
	[tilespmem:$0x10200] =	vst v63  }
0x4e: {  	_ =	swait.ge [sflag:s10], $0x8000  }
0x4f: {  	s22 =	sshll.u32 s22, $0x4;
	[sflag:s10] =	ssyncset.done $0x0  }
0x50: {  	s22 =	sadd.s32 s26, s22;
	[sflag:s10] =	ssyncadd.s32 $0xFFFF8000  }
0x51: {  	[hbm4b:s22+s2] =	stream.linear.scatter [tilespmem:s9], [sflag:$0x2], $0x8000, $0x38;
	[tilespmem:$0x10200] =	vst v63  }
0x52: {  	s29 =	sor.u32 $0x700, s24;
	_ =	swait.ge [sflag:s11], $0x8000  }
0x53: {  	s24 =	sshrl.u32 s29, $0x3;
	[sflag:s11] =	ssyncset.done $0x0  }
0x54: {  	s23 =	sadd.s32 s23, s24;
	[sflag:s11] =	ssyncadd.s32 $0xFFFF8000  }
0x55: {  	[tilespmem:s6], [sflag:$0x3] =	stream.linear.gather [hbm4b:s23+s2], $0x100, $0x38;
	[tilespmem:$0x10200] =	vst v63  }
0x56: {  	_ =	swait.ge [sflag:s4], $0x100  }
0x57: {  	[sflag:s4] =	ssyncset.done $0x0  }
0x58: {  	[sflag:s4] =	ssyncadd.s32 $0xFFFFFF00  }
0x59: {  	[tilespmem:s9], [sflag:$0x1] =	stream.indirect.gather [hbm4b:s5+s6], $0x80, s6, s6, $0xb8;
	[tilespmem:$0x10200] =	vst v63  }
0x5a: {  	_ =	swait.ge [sflag:s10], $0x8000  }
0x5b: {  	s30 =	sshll.u32 s28, $0x4;
	[sflag:s10] =	ssyncset.done $0x0  }
0x5c: {  	s25 =	ssub.s32 $0x2, s25;
	s24 =	sadd.s32 s26, s30;
	[sflag:s10] =	ssyncadd.s32 $0xFFFF8000  }
0x5d: {  	[hbm4b:s24+s2] =	stream.linear.scatter [tilespmem:s7], [sflag:$0x2], $0x8000, $0x38;
	[tilespmem:$0x10200] =	vst v63  }
0x5e: {  	s31 =	sshrl.u32 s25, $0x1;
	_ =	swait.ge [sflag:s11], $0x8000  }
0x5f: {  	s28 =	ssub.s32 s25, s31;
	[sflag:s11] =	ssyncset.done $0x0  }
0x60: {  	s31 =	smax.u32 s28, $0x1;
	[sflag:s11] =	ssyncadd.s32 $0xFFFF8000  }
0x61: {  	p0 =	sne.s32 s31, $0x1;
	_ =	swait.ge [sflag:s10], $0x8000  }
.Ltmp0:
0x62: {  	s30 =	sshll.u32 s29, $0x4;
	[sflag:s10] =	ssyncset.done $0x0;
	(pc) =	sbr.rel @!p0 .LBB2_2-.Ltmp0, $4  }
0x63: {  	s25 =	sadd.s32 s26, s30;
	[sflag:s10] =	ssyncadd.s32 $0xFFFF8000  }
0x64: {  	[hbm4b:s25+s2] =	stream.linear.scatter [tilespmem:s9], [sflag:$0x2], $0x8000, $0x38;
	[tilespmem:$0x10200] =	vst v63  }
0x65: {  	_ =	swait.ge [sflag:s11], $0x8000  }
0x66: {  	s26 =	sadd.s32 $0xFFFFFFFF, s31;
	[sflag:s11] =	ssyncset.done $0x0  }
.LBB2_1:
0x67: {  	p0 =	sne.s32 s26, $0x1;
	s26 =	sadd.s32 $0xFFFFFFFF, s26;
	[sflag:s11] =	ssyncadd.s32 $0xFFFF8000  }
0x68: {  	[tilespmem:s2], [sflag:$0x3] =	stream.linear.gather [hbm4b:s3+s2], $0x100, $0x38;
	[tilespmem:$0x10200] =	vst v63  }
0x69: {  	_ =	swait.ge [sflag:s4], $0x100  }
0x6a: {  	[sflag:s4] =	ssyncset.done $0x0  }
0x6b: {  	[sflag:s4] =	ssyncadd.s32 $0xFFFFFF00  }
0x6c: {  	[tilespmem:s7], [sflag:$0x1] =	stream.indirect.gather [hbm4b:s5+s6], $0x80, s2, s6, $0xb8;
	[tilespmem:$0x10200] =	vst v63  }
0x6d: {  	_ = 	snop  }
0x6e: {  	[tilespmem:s6], [sflag:$0x3] =	stream.linear.gather [hbm4b:s8+s2], $0x100, $0x38;
	[tilespmem:$0x10200] =	vst v63  }
0x6f: {  	_ =	swait.ge [sflag:s4], $0x100  }
0x70: {  	[sflag:s4] =	ssyncset.done $0x0  }
0x71: {  	[sflag:s4] =	ssyncadd.s32 $0xFFFFFF00  }
0x72: {  	[tilespmem:s9], [sflag:$0x1] =	stream.indirect.gather [hbm4b:s5+s6], $0x80, s6, s6, $0xb8;
	[tilespmem:$0x10200] =	vst v63  }
0x73: {  	_ =	swait.ge [sflag:s10], $0x8000  }
0x74: {  	[sflag:s10] =	ssyncset.done $0x0  }
0x75: {  	[sflag:s10] =	ssyncadd.s32 $0xFFFF8000  }
0x76: {  	[hbm4b:s12+s2] =	stream.linear.scatter [tilespmem:s7], [sflag:$0x2], $0x8000, $0x38;
	[tilespmem:$0x10200] =	vst v63  }
0x77: {  	_ =	swait.ge [sflag:s11], $0x8000  }
0x78: {  	[sflag:s11] =	ssyncset.done $0x0  }
0x79: {  	[sflag:s11] =	ssyncadd.s32 $0xFFFF8000  }
0x7a: {  	[tilespmem:s2], [sflag:$0x3] =	stream.linear.gather [hbm4b:s13+s2], $0x100, $0x38;
	[tilespmem:$0x10200] =	vst v63  }
0x7b: {  	_ =	swait.ge [sflag:s4], $0x100  }
0x7c: {  	[sflag:s4] =	ssyncset.done $0x0  }
0x7d: {  	[sflag:s4] =	ssyncadd.s32 $0xFFFFFF00  }
0x7e: {  	[tilespmem:s7], [sflag:$0x1] =	stream.indirect.gather [hbm4b:s5+s6], $0x80, s2, s6, $0xb8;
	[tilespmem:$0x10200] =	vst v63  }
0x7f: {  	_ =	swait.ge [sflag:s10], $0x8000  }
0x80: {  	[sflag:s10] =	ssyncset.done $0x0  }
0x81: {  	[sflag:s10] =	ssyncadd.s32 $0xFFFF8000  }
0x82: {  	[hbm4b:s14+s2] =	stream.linear.scatter [tilespmem:s9], [sflag:$0x2], $0x8000, $0x38;
	[tilespmem:$0x10200] =	vst v63  }
0x83: {  	_ =	swait.ge [sflag:s11], $0x8000  }
0x84: {  	[sflag:s11] =	ssyncset.done $0x0  }
0x85: {  	[sflag:s11] =	ssyncadd.s32 $0xFFFF8000  }
0x86: {  	[tilespmem:s6], [sflag:$0x3] =	stream.linear.gather [hbm4b:s15+s2], $0x100, $0x38;
	[tilespmem:$0x10200] =	vst v63  }
0x87: {  	_ =	swait.ge [sflag:s4], $0x100  }
0x88: {  	[sflag:s4] =	ssyncset.done $0x0  }
0x89: {  	[sflag:s4] =	ssyncadd.s32 $0xFFFFFF00  }
0x8a: {  	[tilespmem:s9], [sflag:$0x1] =	stream.indirect.gather [hbm4b:s5+s6], $0x80, s6, s6, $0xb8;
	[tilespmem:$0x10200] =	vst v63  }
0x8b: {  	_ =	swait.ge [sflag:s10], $0x8000  }
0x8c: {  	[sflag:s10] =	ssyncset.done $0x0  }
0x8d: {  	[sflag:s10] =	ssyncadd.s32 $0xFFFF8000  }
0x8e: {  	[hbm4b:s16+s2] =	stream.linear.scatter [tilespmem:s7], [sflag:$0x2], $0x8000, $0x38;
	[tilespmem:$0x10200] =	vst v63  }
0x8f: {  	_ =	swait.ge [sflag:s11], $0x8000  }
0x90: {  	[sflag:s11] =	ssyncset.done $0x0  }
0x91: {  	[sflag:s11] =	ssyncadd.s32 $0xFFFF8000  }
0x92: {  	[tilespmem:s2], [sflag:$0x3] =	stream.linear.gather [hbm4b:s17+s2], $0x100, $0x38;
	[tilespmem:$0x10200] =	vst v63  }
0x93: {  	_ =	swait.ge [sflag:s4], $0x100  }
0x94: {  	[sflag:s4] =	ssyncset.done $0x0  }
0x95: {  	[sflag:s4] =	ssyncadd.s32 $0xFFFFFF00  }
0x96: {  	[tilespmem:s7], [sflag:$0x1] =	stream.indirect.gather [hbm4b:s5+s6], $0x80, s2, s6, $0xb8;
	[tilespmem:$0x10200] =	vst v63  }
0x97: {  	_ =	swait.ge [sflag:s10], $0x8000  }
0x98: {  	[sflag:s10] =	ssyncset.done $0x0  }
0x99: {  	[sflag:s10] =	ssyncadd.s32 $0xFFFF8000  }
0x9a: {  	[hbm4b:s18+s2] =	stream.linear.scatter [tilespmem:s9], [sflag:$0x2], $0x8000, $0x38;
	[tilespmem:$0x10200] =	vst v63  }
0x9b: {  	_ =	swait.ge [sflag:s11], $0x8000  }
0x9c: {  	[sflag:s11] =	ssyncset.done $0x0  }
0x9d: {  	[sflag:s11] =	ssyncadd.s32 $0xFFFF8000  }
0x9e: {  	[tilespmem:s6], [sflag:$0x3] =	stream.linear.gather [hbm4b:s19+s2], $0x100, $0x38;
	[tilespmem:$0x10200] =	vst v63  }
0x9f: {  	_ =	swait.ge [sflag:s4], $0x100  }
0xa0: {  	[sflag:s4] =	ssyncset.done $0x0  }
0xa1: {  	[sflag:s4] =	ssyncadd.s32 $0xFFFFFF00  }
0xa2: {  	[tilespmem:s9], [sflag:$0x1] =	stream.indirect.gather [hbm4b:s5+s6], $0x80, s6, s6, $0xb8;
	[tilespmem:$0x10200] =	vst v63  }
0xa3: {  	_ =	swait.ge [sflag:s10], $0x8000  }
0xa4: {  	[sflag:s10] =	ssyncset.done $0x0  }
0xa5: {  	[sflag:s10] =	ssyncadd.s32 $0xFFFF8000  }
0xa6: {  	[hbm4b:s20+s2] =	stream.linear.scatter [tilespmem:s7], [sflag:$0x2], $0x8000, $0x38;
	[tilespmem:$0x10200] =	vst v63  }
0xa7: {  	_ =	swait.ge [sflag:s11], $0x8000  }
0xa8: {  	[sflag:s11] =	ssyncset.done $0x0  }
0xa9: {  	[sflag:s11] =	ssyncadd.s32 $0xFFFF8000  }
0xaa: {  	[tilespmem:s2], [sflag:$0x3] =	stream.linear.gather [hbm4b:s21+s2], $0x100, $0x38;
	[tilespmem:$0x10200] =	vst v63  }
0xab: {  	_ =	swait.ge [sflag:s4], $0x100  }
0xac: {  	[sflag:s4] =	ssyncset.done $0x0  }
0xad: {  	[sflag:s4] =	ssyncadd.s32 $0xFFFFFF00  }
0xae: {  	[tilespmem:s7], [sflag:$0x1] =	stream.indirect.gather [hbm4b:s5+s6], $0x80, s2, s6, $0xb8;
	[tilespmem:$0x10200] =	vst v63  }
0xaf: {  	_ =	swait.ge [sflag:s10], $0x8000  }
0xb0: {  	[sflag:s10] =	ssyncset.done $0x0  }
0xb1: {  	[sflag:s10] =	ssyncadd.s32 $0xFFFF8000  }
0xb2: {  	[hbm4b:s22+s2] =	stream.linear.scatter [tilespmem:s9], [sflag:$0x2], $0x8000, $0x38;
	[tilespmem:$0x10200] =	vst v63  }
0xb3: {  	_ =	swait.ge [sflag:s11], $0x8000  }
0xb4: {  	[sflag:s11] =	ssyncset.done $0x0  }
0xb5: {  	[sflag:s11] =	ssyncadd.s32 $0xFFFF8000  }
0xb6: {  	[tilespmem:s6], [sflag:$0x3] =	stream.linear.gather [hbm4b:s23+s2], $0x100, $0x38;
	[tilespmem:$0x10200] =	vst v63  }
0xb7: {  	_ =	swait.ge [sflag:s4], $0x100  }
0xb8: {  	[sflag:s4] =	ssyncset.done $0x0  }
0xb9: {  	[sflag:s4] =	ssyncadd.s32 $0xFFFFFF00  }
0xba: {  	[tilespmem:s9], [sflag:$0x1] =	stream.indirect.gather [hbm4b:s5+s6], $0x80, s6, s6, $0xb8;
	[tilespmem:$0x10200] =	vst v63  }
0xbb: {  	_ =	swait.ge [sflag:s10], $0x8000  }
0xbc: {  	[sflag:s10] =	ssyncset.done $0x0  }
0xbd: {  	[sflag:s10] =	ssyncadd.s32 $0xFFFF8000  }
0xbe: {  	[hbm4b:s24+s2] =	stream.linear.scatter [tilespmem:s7], [sflag:$0x2], $0x8000, $0x38;
	[tilespmem:$0x10200] =	vst v63  }
0xbf: {  	_ =	swait.ge [sflag:s11], $0x8000  }
0xc0: {  	[sflag:s11] =	ssyncset.done $0x0  }
0xc1: {  	[sflag:s11] =	ssyncadd.s32 $0xFFFF8000  }
0xc2: {  	_ =	swait.ge [sflag:s10], $0x8000  }
.Ltmp1:
0xc3: {  	[sflag:s10] =	ssyncset.done $0x0;
	(pc) =	sbr.rel @p0 .LBB2_1-.Ltmp1, $4  }
0xc4: {  	[sflag:s10] =	ssyncadd.s32 $0xFFFF8000  }
0xc5: {  	[hbm4b:s25+s2] =	stream.linear.scatter [tilespmem:s9], [sflag:$0x2], $0x8000, $0x38;
	[tilespmem:$0x10200] =	vst v63  }
0xc6: {  	_ =	swait.ge [sflag:s11], $0x8000  }
0xc7: {  	[sflag:s11] =	ssyncset.done $0x0  }
.LBB2_2:
0xc8: {  	[sflag:s11] =	ssyncadd.s32 $0xFFFF8000  }
0xc9: {  	_ =	sfence.sel $0x180000  }
0xca: {  	[bflag:$0x0] =	sbarrier.arrive $0xFFFF  }
0xcb: {  	p0 =	sne.s32 s0, $0x0;
	_ =	strace $0x90000047  }
0xcc: {  	s0 =	sadd.s32 @!p0 $0x100000, s1;
	[bflag:$0x2] =	sbarrier.arrive $0xFFFF  }
0xcd: {  	[sflag:s0] =	ssyncadd.tile.s32 @!p0 $0x1;
	_ =	shalt  }
.Lfunc_end2:
_tile_overlayer_lowered:
.L_overlay_start_2:
0xce: {  	(tag) =	ssettag $0x2  }
0xcf: {  	s0 =	rddreg [dreg:$0x0];
	s2 =	stileid.u32  }
0xd0: {  	s1 =	rddreg [dreg:$0x1];
	p0 =	sne.s32 s2, $0x0  }
0xd1: {  	s3 =	rddreg [dreg:$0x2];
	[bflag:$0x3] =	sbarrier.arrive $0xFFFF;
	s2 =	simm.s32 @!p0 $0x1C03  }
0xd2: {  	[timem:s3], [sflag:s2] =	dma.local @!p0 [hbm:s0], s1  }
0xd3: {  	s0 =	simm.s32 @!p0 $0x3  }
0xd4: {  	_ =	swait.ge @!p0 [sflag:s0], s1  }
0xd5: {  	s1 =	ssub.s32 @!p0 $0x0, s1;
	[sflag:s0] =	ssyncset.done @!p0 $0x0  }
0xd6: {  	[sflag:s0] =	ssyncadd.s32 @!p0 s1  }
0xd7: {  	[bflag:$0x3] =	sbarrier.arrive $0xFFFF  }
0xd8: {  	_ =	shalt  }

</sc_bundles>
